<compile_context>
chip_gen: v7x
topology: tpu7x:2x2x1
jax: 0.10.2.dev20260603
libtpu: 0.0.44.dev20260713+nightly
codegen_flags: <defaults>
</compile_context>

<pallas_src>
import functools

import jax
import jax.numpy as jnp
from jax import lax
from jax.experimental import pallas as pl
from jax.experimental.pallas import tpu as pltpu
from jax.experimental.pallas import tpu_sc as plsc

_NUM_WORKERS = 32
_LANES = 16
_NCHUNK = 3


def _round16(x):
    return (x + _LANES - 1) // _LANES * _LANES


@functools.lru_cache(maxsize=None)
def _build_sc_exp_map(n: int):
    cw = _round16(-(-(-(-n // _NUM_WORKERS)) // _NCHUNK))
    c_std = _NCHUNK * cw
    last_start = (_NUM_WORKERS - 1) * c_std
    c_last = n - last_start
    assert 0 < c_last <= c_std
    last_lens = []
    rem = c_last
    for _ in range(_NCHUNK):
        take = min(cw, rem)
        last_lens.append(take)
        rem -= take
    last_lens = tuple(last_lens)
    assert rem == 0

    mesh = plsc.VectorSubcoreMesh(core_axis_name="c", subcore_axis_name="s")

    @functools.partial(
        pl.kernel,
        out_type=jax.ShapeDtypeStruct((n,), jnp.float32),
        mesh=mesh,
        scratch_types=(
            [pltpu.VMEM((cw,), jnp.float32) for _ in range(_NCHUNK)]
            + [pltpu.VMEM((_LANES,), jnp.float32)]
            + [pltpu.SemaphoreType.DMA for _ in range(2 * _NCHUNK)]
        ),
    )
    def run(vals, scale, out, *scratch):
        bufs = scratch[:_NCHUNK]
        scale_v = scratch[_NCHUNK]
        sem_in = scratch[_NCHUNK + 1 : 2 * _NCHUNK + 1]
        sem_out = scratch[2 * _NCHUNK + 1 :]
        wid = lax.axis_index("c") * 16 + lax.axis_index("s")

        def pipeline(base, chunk_lens):
            def in_copy(k):
                w = chunk_lens[k]
                return pltpu.make_async_copy(
                    vals.at[pl.ds(base + k * cw, w)],
                    bufs[k].at[pl.ds(0, w)],
                    sem_in[k],
                )

            def out_copy(k):
                w = chunk_lens[k]
                return pltpu.make_async_copy(
                    bufs[k].at[pl.ds(0, w)],
                    out.at[pl.ds(base + k * cw, w)],
                    sem_out[k],
                )

            def compute(k, s):
                buf = bufs[k]
                w = _round16(chunk_lens[k])

                @plsc.parallel_loop(0, w, step=_LANES, unroll=8)
                def _(i):
                    o = pl.multiple_of(i, _LANES)
                    buf[pl.ds(o, _LANES)] = jnp.exp(buf[pl.ds(o, _LANES)] * s)

            live = [k for k in range(_NCHUNK) if chunk_lens[k] > 0]
            for k in live:
                in_copy(k).start()
            pltpu.sync_copy(scale, scale_v)
            s = scale_v[...]
            for k in live:
                in_copy(k).wait()
                compute(k, s)
                out_copy(k).start()
            for k in live:
                out_copy(k).wait()

        @pl.when(wid < _NUM_WORKERS - 1)
        def _():
            pipeline(wid * c_std, (cw,) * _NCHUNK)

        @pl.when(wid == _NUM_WORKERS - 1)
        def _():
            pipeline(last_start, last_lens)

    return run


def kernel(indices, values, rationality):
    del indices
    run = _build_sc_exp_map(values.shape[0])
    scale = jnp.full((_LANES,), -rationality, dtype=jnp.float32)
    return run(values, scale)

# --- scband reference (transcript-rebuilt; emitter-appended) ---
"""Pipeline reference for scband-logit-layer-83562883711883 (READ-ONLY COPY).

The authoritative reference and input builder live on the scoring server;
editing this copy changes nothing except your own understanding.
"""

import jax, jax.numpy as jnp
import numpy as np

NNZ = 2684354
N = 16384

def setup_inputs(seed: int = 0) -> dict:
    key = jax.random.key(seed)
    k1, k2 = jax.random.split(key)
    indices = jax.random.randint(k1, (NNZ, 2), 0, N, dtype=jnp.int32)
    values = jax.random.uniform(k2, (NNZ,), dtype=jnp.float32)
    # Layer variable: rationality (non-trainable by default, init 1.0)
    rationality = jnp.array(1.0, dtype=jnp.float32)
    return {"indices": indices, "values": values, "rationality": rationality}

def reference(indices, values, rationality):
    # LogitLayer with node_constants=None -> link_constants is scalar 0.0
    link_constants = jnp.float32(0.0)
    # condition_costs: sparse.add(broadcast(link_constants) * mask, inputs)
    # operating on sparse values directly (mask values are ones at the same nnz positions)
    mask_values = jnp.ones_like(values)
    conditioned_values = link_constants * mask_values + values
    # to_logits applied via map_values: exp(-rationality * conditioned)
    out_values = jnp.exp(-rationality * conditioned_values)
    return out_values

if __name__ == "__main__":
    import jax
    _d = setup_inputs()
    print(jax.jit(kernel)(*tuple(_d.values())))

</pallas_src>

<mosaic_0001>
#map = affine_map<(d0, d1) -> (0)>
module attributes {stable_mosaic.version = 14 : i64} {
  func.func @run(%arg0: i32, %arg1: i32, %arg2: memref<2684354xf32, #tpu.memory_space<hbm>>, %arg3: memref<16xf32, #tpu.memory_space<hbm>>, %arg4: memref<2684354xf32, #tpu.memory_space<hbm>>, %arg5: memref<27968xf32, #tpu.memory_space<vmem>>, %arg6: memref<27968xf32, #tpu.memory_space<vmem>>, %arg7: memref<27968xf32, #tpu.memory_space<vmem>>, %arg8: memref<16xf32, #tpu.memory_space<vmem>>, %arg9: memref<!tpu.dma_semaphore, #tpu.memory_space<semaphore_mem>>, %arg10: memref<!tpu.dma_semaphore, #tpu.memory_space<semaphore_mem>>, %arg11: memref<!tpu.dma_semaphore, #tpu.memory_space<semaphore_mem>>, %arg12: memref<!tpu.dma_semaphore, #tpu.memory_space<semaphore_mem>>, %arg13: memref<!tpu.dma_semaphore, #tpu.memory_space<semaphore_mem>>, %arg14: memref<!tpu.dma_semaphore, #tpu.memory_space<semaphore_mem>>) attributes {dimension_semantics = [#tpu.dimension_semantics<core_parallel>, #tpu.dimension_semantics<subcore_parallel>], iteration_bounds = array<i64: 2, 16>, scalar_prefetch = 0 : i64, scratch_operands = 10 : i64, tpu.core_type = #tpu.core_type<sc_vector_subcore>, window_params = [{transform_indices = #map}, {transform_indices = #map}, {transform_indices = #map}]} {
    %mul3A = arith.constant 16 : i32
    %mul3A_0 = arith.muli %arg0, %mul3A : i32
    %add3A = arith.addi %mul3A_0, %arg1 : i32
    %lt3A = arith.constant 31 : i32
    %lt3A_1 = arith.cmpi slt, %add3A, %lt3A : i32
    %convert_element_type3A = arith.extui %lt3A_1 : i1 to i32
    %cond3A = arith.constant 0 : i32
    %cond3A_2 = arith.cmpi ne, %convert_element_type3A, %cond3A : i32
    scf.if %cond3A_2 {
      %mul3A_7 = arith.constant 83904 : i32
      %mul3A_8 = arith.muli %add3A, %mul3A_7 : i32
      %add3A_9 = arith.constant 0 : i32
      %add3A_10 = arith.addi %mul3A_8, %add3A_9 : i32
      %dma_start3A = arith.constant 0 : i32
      %dma_start3A_11 = tpu.memref_slice %arg5[%dma_start3A] : memref<27968xf32, #tpu.memory_space<vmem>> -> memref<27968xf32, #tpu.memory_space<vmem>>
      %dma_start3A_12 = tpu.memref_slice %arg2[%add3A_10] : memref<2684354xf32, #tpu.memory_space<hbm>> -> memref<27968xf32, #tpu.memory_space<hbm>>
      %dma_start3A_13 = arith.constant 0 : i32
      %dma_start3A_14 = tpu.memref_slice %arg5[%dma_start3A_13] : memref<27968xf32, #tpu.memory_space<vmem>> -> memref<27968xf32, #tpu.memory_space<vmem>>
      %dma_start3A_15 = tpu.memref_slice %arg2[%add3A_10] : memref<2684354xf32, #tpu.memory_space<hbm>> -> memref<27968xf32, #tpu.memory_space<hbm>>
      tpu.enqueue_dma source(%dma_start3A_15 : memref<27968xf32, #tpu.memory_space<hbm>>) target(%dma_start3A_14 : memref<27968xf32, #tpu.memory_space<vmem>>) target_semaphore(%arg9 : memref<!tpu.dma_semaphore, #tpu.memory_space<semaphore_mem>>)
      %add3A_16 = arith.constant 27968 : i32
      %add3A_17 = arith.addi %mul3A_8, %add3A_16 : i32
      %dma_start3A_18 = arith.constant 0 : i32
      %dma_start3A_19 = tpu.memref_slice %arg6[%dma_start3A_18] : memref<27968xf32, #tpu.memory_space<vmem>> -> memref<27968xf32, #tpu.memory_space<vmem>>
      %dma_start3A_20 = tpu.memref_slice %arg2[%add3A_17] : memref<2684354xf32, #tpu.memory_space<hbm>> -> memref<27968xf32, #tpu.memory_space<hbm>>
      %dma_start3A_21 = arith.constant 0 : i32
      %dma_start3A_22 = tpu.memref_slice %arg6[%dma_start3A_21] : memref<27968xf32, #tpu.memory_space<vmem>> -> memref<27968xf32, #tpu.memory_space<vmem>>
      %dma_start3A_23 = tpu.memref_slice %arg2[%add3A_17] : memref<2684354xf32, #tpu.memory_space<hbm>> -> memref<27968xf32, #tpu.memory_space<hbm>>
      tpu.enqueue_dma source(%dma_start3A_23 : memref<27968xf32, #tpu.memory_space<hbm>>) target(%dma_start3A_22 : memref<27968xf32, #tpu.memory_space<vmem>>) target_semaphore(%arg10 : memref<!tpu.dma_semaphore, #tpu.memory_space<semaphore_mem>>)
      %add3A_24 = arith.constant 55936 : i32
      %add3A_25 = arith.addi %mul3A_8, %add3A_24 : i32
      %dma_start3A_26 = arith.constant 0 : i32
      %dma_start3A_27 = tpu.memref_slice %arg7[%dma_start3A_26] : memref<27968xf32, #tpu.memory_space<vmem>> -> memref<27968xf32, #tpu.memory_space<vmem>>
      %dma_start3A_28 = tpu.memref_slice %arg2[%add3A_25] : memref<2684354xf32, #tpu.memory_space<hbm>> -> memref<27968xf32, #tpu.memory_space<hbm>>
      %dma_start3A_29 = arith.constant 0 : i32
      %dma_start3A_30 = tpu.memref_slice %arg7[%dma_start3A_29] : memref<27968xf32, #tpu.memory_space<vmem>> -> memref<27968xf32, #tpu.memory_space<vmem>>
      %dma_start3A_31 = tpu.memref_slice %arg2[%add3A_25] : memref<2684354xf32, #tpu.memory_space<hbm>> -> memref<27968xf32, #tpu.memory_space<hbm>>
      tpu.enqueue_dma source(%dma_start3A_31 : memref<27968xf32, #tpu.memory_space<hbm>>) target(%dma_start3A_30 : memref<27968xf32, #tpu.memory_space<vmem>>) target_semaphore(%arg11 : memref<!tpu.dma_semaphore, #tpu.memory_space<semaphore_mem>>)
      "tpu.region"() ({
        %run_scoped3A = tpu.sem_alloc : memref<!tpu.dma_semaphore, #tpu.memory_space<semaphore_mem>>
        tpu.enqueue_dma source(%arg3 : memref<16xf32, #tpu.memory_space<hbm>>) target(%arg8 : memref<16xf32, #tpu.memory_space<vmem>>) target_semaphore(%run_scoped3A : memref<!tpu.dma_semaphore, #tpu.memory_space<semaphore_mem>>)
        tpu.wait_dma2 semaphore(%run_scoped3A : memref<!tpu.dma_semaphore, #tpu.memory_space<semaphore_mem>>) src(%arg3 : memref<16xf32, #tpu.memory_space<hbm>>) dst(%arg8 : memref<16xf32, #tpu.memory_space<vmem>>)
        tpu.yield
      }) : () -> ()
      %get3A = arith.constant 0 : index
      %get3A_32 = tpu.vector_load %arg8[%get3A] {strides = array<i32>} : memref<16xf32, #tpu.memory_space<vmem>>, vector<16xf32>,
      %get3A_33 = vector.shape_cast %get3A_32 : vector<16xf32> to vector<16xf32>
      %add3A_34 = arith.constant 0 : i32
      %add3A_35 = arith.addi %mul3A_8, %add3A_34 : i32
      %dma_wait3A = arith.constant 0 : i32
      %dma_wait3A_36 = tpu.memref_slice %arg5[%dma_wait3A] : memref<27968xf32, #tpu.memory_space<vmem>> -> memref<27968xf32, #tpu.memory_space<vmem>>
      %dma_wait3A_37 = tpu.memref_slice %arg2[%add3A_35] : memref<2684354xf32, #tpu.memory_space<hbm>> -> memref<27968xf32, #tpu.memory_space<hbm>>
      %dma_wait3A_38 = arith.constant 0 : i32
      %dma_wait3A_39 = tpu.memref_slice %arg5[%dma_wait3A_38] : memref<27968xf32, #tpu.memory_space<vmem>> -> memref<27968xf32, #tpu.memory_space<vmem>>
      %dma_wait3A_40 = tpu.memref_slice %arg2[%add3A_35] : memref<2684354xf32, #tpu.memory_space<hbm>> -> memref<27968xf32, #tpu.memory_space<hbm>>
      tpu.wait_dma2 semaphore(%arg9 : memref<!tpu.dma_semaphore, #tpu.memory_space<semaphore_mem>>) src(%dma_wait3A_40 : memref<27968xf32, #tpu.memory_space<hbm>>) dst(%dma_wait3A_39 : memref<27968xf32, #tpu.memory_space<vmem>>)
      %parallel_loop3A = arith.constant 0 : i32
      %parallel_loop3A_41 = arith.constant 27968 : i32
      %parallel_loop3A_42 = arith.constant 16 : i32
      scf.for %parallel_loop3A_113 = %parallel_loop3A to %parallel_loop3A_41 step %parallel_loop3A_42  : i32 {
        %parallel_loop3A_114 = tpu.assume_multiple %parallel_loop3A_113, 16 : i32
        %parallel_loop3A_115 = arith.index_cast %parallel_loop3A_114 : i32 to index
        %parallel_loop3A_116 = tpu.vector_load %arg5[%parallel_loop3A_115] {strides = array<i32>} : memref<27968xf32, #tpu.memory_space<vmem>>, vector<16xf32>,
        %parallel_loop3A_117 = vector.shape_cast %parallel_loop3A_116 : vector<16xf32> to vector<16xf32>
        %parallel_loop3A_118 = arith.mulf %parallel_loop3A_117, %get3A_33 : vector<16xf32>
        %parallel_loop3A_119 = math.exp %parallel_loop3A_118 : vector<16xf32>
        %parallel_loop3A_120 = arith.index_cast %parallel_loop3A_114 : i32 to index
        %parallel_loop3A_121 = tpu.vector_load %arg5[%parallel_loop3A_120] {strides = array<i32>} : memref<27968xf32, #tpu.memory_space<vmem>>, vector<16xf32>,
        %parallel_loop3A_122 = vector.shape_cast %parallel_loop3A_121 : vector<16xf32> to vector<16xf32>
        %parallel_loop3A_123 = vector.shape_cast %parallel_loop3A_119 : vector<16xf32> to vector<16xf32>
        tpu.vector_store %arg5[%parallel_loop3A_120], %parallel_loop3A_123 {strides = array<i32>} : memref<27968xf32, #tpu.memory_space<vmem>>, vector<16xf32>,
      } {sc.loop_unroll_factor = 8 : i64, sc.parallel_access}
      %add3A_43 = arith.constant 0 : i32
      %add3A_44 = arith.addi %mul3A_8, %add3A_43 : i32
      %dma_start3A_45 = arith.constant 0 : i32
      %dma_start3A_46 = tpu.memref_slice %arg5[%dma_start3A_45] : memref<27968xf32, #tpu.memory_space<vmem>> -> memref<27968xf32, #tpu.memory_space<vmem>>
      %dma_start3A_47 = tpu.memref_slice %arg4[%add3A_44] : memref<2684354xf32, #tpu.memory_space<hbm>> -> memref<27968xf32, #tpu.memory_space<hbm>>
      %dma_start3A_48 = tpu.memref_slice %arg4[%add3A_44] : memref<2684354xf32, #tpu.memory_space<hbm>> -> memref<27968xf32, #tpu.memory_space<hbm>>
      %dma_start3A_49 = arith.constant 0 : i32
      %dma_start3A_50 = tpu.memref_slice %arg5[%dma_start3A_49] : memref<27968xf32, #tpu.memory_space<vmem>> -> memref<27968xf32, #tpu.memory_space<vmem>>
      tpu.enqueue_dma source(%dma_start3A_50 : memref<27968xf32, #tpu.memory_space<vmem>>) target(%dma_start3A_48 : memref<27968xf32, #tpu.memory_space<hbm>>) target_semaphore(%arg12 : memref<!tpu.dma_semaphore, #tpu.memory_space<semaphore_mem>>)
      %add3A_51 = arith.constant 27968 : i32
      %add3A_52 = arith.addi %mul3A_8, %add3A_51 : i32
      %dma_wait3A_53 = arith.constant 0 : i32
      %dma_wait3A_54 = tpu.memref_slice %arg6[%dma_wait3A_53] : memref<27968xf32, #tpu.memory_space<vmem>> -> memref<27968xf32, #tpu.memory_space<vmem>>
      %dma_wait3A_55 = tpu.memref_slice %arg2[%add3A_52] : memref<2684354xf32, #tpu.memory_space<hbm>> -> memref<27968xf32, #tpu.memory_space<hbm>>
      %dma_wait3A_56 = arith.constant 0 : i32
      %dma_wait3A_57 = tpu.memref_slice %arg6[%dma_wait3A_56] : memref<27968xf32, #tpu.memory_space<vmem>> -> memref<27968xf32, #tpu.memory_space<vmem>>
      %dma_wait3A_58 = tpu.memref_slice %arg2[%add3A_52] : memref<2684354xf32, #tpu.memory_space<hbm>> -> memref<27968xf32, #tpu.memory_space<hbm>>
      tpu.wait_dma2 semaphore(%arg10 : memref<!tpu.dma_semaphore, #tpu.memory_space<semaphore_mem>>) src(%dma_wait3A_58 : memref<27968xf32, #tpu.memory_space<hbm>>) dst(%dma_wait3A_57 : memref<27968xf32, #tpu.memory_space<vmem>>)
      %parallel_loop3A_59 = arith.constant 0 : i32
      %parallel_loop3A_60 = arith.constant 27968 : i32
      %parallel_loop3A_61 = arith.constant 16 : i32
      scf.for %parallel_loop3A_113 = %parallel_loop3A_59 to %parallel_loop3A_60 step %parallel_loop3A_61  : i32 {
        %parallel_loop3A_114 = tpu.assume_multiple %parallel_loop3A_113, 16 : i32
        %parallel_loop3A_115 = arith.index_cast %parallel_loop3A_114 : i32 to index
        %parallel_loop3A_116 = tpu.vector_load %arg6[%parallel_loop3A_115] {strides = array<i32>} : memref<27968xf32, #tpu.memory_space<vmem>>, vector<16xf32>,
        %parallel_loop3A_117 = vector.shape_cast %parallel_loop3A_116 : vector<16xf32> to vector<16xf32>
        %parallel_loop3A_118 = arith.mulf %parallel_loop3A_117, %get3A_33 : vector<16xf32>
        %parallel_loop3A_119 = math.exp %parallel_loop3A_118 : vector<16xf32>
        %parallel_loop3A_120 = arith.index_cast %parallel_loop3A_114 : i32 to index
        %parallel_loop3A_121 = tpu.vector_load %arg6[%parallel_loop3A_120] {strides = array<i32>} : memref<27968xf32, #tpu.memory_space<vmem>>, vector<16xf32>,
        %parallel_loop3A_122 = vector.shape_cast %parallel_loop3A_121 : vector<16xf32> to vector<16xf32>
        %parallel_loop3A_123 = vector.shape_cast %parallel_loop3A_119 : vector<16xf32> to vector<16xf32>
        tpu.vector_store %arg6[%parallel_loop3A_120], %parallel_loop3A_123 {strides = array<i32>} : memref<27968xf32, #tpu.memory_space<vmem>>, vector<16xf32>,
      } {sc.loop_unroll_factor = 8 : i64, sc.parallel_access}
      %add3A_62 = arith.constant 27968 : i32
      %add3A_63 = arith.addi %mul3A_8, %add3A_62 : i32
      %dma_start3A_64 = arith.constant 0 : i32
      %dma_start3A_65 = tpu.memref_slice %arg6[%dma_start3A_64] : memref<27968xf32, #tpu.memory_space<vmem>> -> memref<27968xf32, #tpu.memory_space<vmem>>
      %dma_start3A_66 = tpu.memref_slice %arg4[%add3A_63] : memref<2684354xf32, #tpu.memory_space<hbm>> -> memref<27968xf32, #tpu.memory_space<hbm>>
      %dma_start3A_67 = tpu.memref_slice %arg4[%add3A_63] : memref<2684354xf32, #tpu.memory_space<hbm>> -> memref<27968xf32, #tpu.memory_space<hbm>>
      %dma_start3A_68 = arith.constant 0 : i32
      %dma_start3A_69 = tpu.memref_slice %arg6[%dma_start3A_68] : memref<27968xf32, #tpu.memory_space<vmem>> -> memref<27968xf32, #tpu.memory_space<vmem>>
      tpu.enqueue_dma source(%dma_start3A_69 : memref<27968xf32, #tpu.memory_space<vmem>>) target(%dma_start3A_67 : memref<27968xf32, #tpu.memory_space<hbm>>) target_semaphore(%arg13 : memref<!tpu.dma_semaphore, #tpu.memory_space<semaphore_mem>>)
      %add3A_70 = arith.constant 55936 : i32
      %add3A_71 = arith.addi %mul3A_8, %add3A_70 : i32
      %dma_wait3A_72 = arith.constant 0 : i32
      %dma_wait3A_73 = tpu.memref_slice %arg7[%dma_wait3A_72] : memref<27968xf32, #tpu.memory_space<vmem>> -> memref<27968xf32, #tpu.memory_space<vmem>>
      %dma_wait3A_74 = tpu.memref_slice %arg2[%add3A_71] : memref<2684354xf32, #tpu.memory_space<hbm>> -> memref<27968xf32, #tpu.memory_space<hbm>>
      %dma_wait3A_75 = arith.constant 0 : i32
      %dma_wait3A_76 = tpu.memref_slice %arg7[%dma_wait3A_75] : memref<27968xf32, #tpu.memory_space<vmem>> -> memref<27968xf32, #tpu.memory_space<vmem>>
      %dma_wait3A_77 = tpu.memref_slice %arg2[%add3A_71] : memref<2684354xf32, #tpu.memory_space<hbm>> -> memref<27968xf32, #tpu.memory_space<hbm>>
      tpu.wait_dma2 semaphore(%arg11 : memref<!tpu.dma_semaphore, #tpu.memory_space<semaphore_mem>>) src(%dma_wait3A_77 : memref<27968xf32, #tpu.memory_space<hbm>>) dst(%dma_wait3A_76 : memref<27968xf32, #tpu.memory_space<vmem>>)
      %parallel_loop3A_78 = arith.constant 0 : i32
      %parallel_loop3A_79 = arith.constant 27968 : i32
      %parallel_loop3A_80 = arith.constant 16 : i32
      scf.for %parallel_loop3A_113 = %parallel_loop3A_78 to %parallel_loop3A_79 step %parallel_loop3A_80  : i32 {
        %parallel_loop3A_114 = tpu.assume_multiple %parallel_loop3A_113, 16 : i32
        %parallel_loop3A_115 = arith.index_cast %parallel_loop3A_114 : i32 to index
        %parallel_loop3A_116 = tpu.vector_load %arg7[%parallel_loop3A_115] {strides = array<i32>} : memref<27968xf32, #tpu.memory_space<vmem>>, vector<16xf32>,
        %parallel_loop3A_117 = vector.shape_cast %parallel_loop3A_116 : vector<16xf32> to vector<16xf32>
        %parallel_loop3A_118 = arith.mulf %parallel_loop3A_117, %get3A_33 : vector<16xf32>
        %parallel_loop3A_119 = math.exp %parallel_loop3A_118 : vector<16xf32>
        %parallel_loop3A_120 = arith.index_cast %parallel_loop3A_114 : i32 to index
        %parallel_loop3A_121 = tpu.vector_load %arg7[%parallel_loop3A_120] {strides = array<i32>} : memref<27968xf32, #tpu.memory_space<vmem>>, vector<16xf32>,
        %parallel_loop3A_122 = vector.shape_cast %parallel_loop3A_121 : vector<16xf32> to vector<16xf32>
        %parallel_loop3A_123 = vector.shape_cast %parallel_loop3A_119 : vector<16xf32> to vector<16xf32>
        tpu.vector_store %arg7[%parallel_loop3A_120], %parallel_loop3A_123 {strides = array<i32>} : memref<27968xf32, #tpu.memory_space<vmem>>, vector<16xf32>,
      } {sc.loop_unroll_factor = 8 : i64, sc.parallel_access}
      %add3A_81 = arith.constant 55936 : i32
      %add3A_82 = arith.addi %mul3A_8, %add3A_81 : i32
      %dma_start3A_83 = arith.constant 0 : i32
      %dma_start3A_84 = tpu.memref_slice %arg7[%dma_start3A_83] : memref<27968xf32, #tpu.memory_space<vmem>> -> memref<27968xf32, #tpu.memory_space<vmem>>
      %dma_start3A_85 = tpu.memref_slice %arg4[%add3A_82] : memref<2684354xf32, #tpu.memory_space<hbm>> -> memref<27968xf32, #tpu.memory_space<hbm>>
      %dma_start3A_86 = tpu.memref_slice %arg4[%add3A_82] : memref<2684354xf32, #tpu.memory_space<hbm>> -> memref<27968xf32, #tpu.memory_space<hbm>>
      %dma_start3A_87 = arith.constant 0 : i32
      %dma_start3A_88 = tpu.memref_slice %arg7[%dma_start3A_87] : memref<27968xf32, #tpu.memory_space<vmem>> -> memref<27968xf32, #tpu.memory_space<vmem>>
      tpu.enqueue_dma source(%dma_start3A_88 : memref<27968xf32, #tpu.memory_space<vmem>>) target(%dma_start3A_86 : memref<27968xf32, #tpu.memory_space<hbm>>) target_semaphore(%arg14 : memref<!tpu.dma_semaphore, #tpu.memory_space<semaphore_mem>>)
      %add3A_89 = arith.constant 0 : i32
      %add3A_90 = arith.addi %mul3A_8, %add3A_89 : i32
      %dma_wait3A_91 = arith.constant 0 : i32
      %dma_wait3A_92 = tpu.memref_slice %arg5[%dma_wait3A_91] : memref<27968xf32, #tpu.memory_space<vmem>> -> memref<27968xf32, #tpu.memory_space<vmem>>
      %dma_wait3A_93 = tpu.memref_slice %arg4[%add3A_90] : memref<2684354xf32, #tpu.memory_space<hbm>> -> memref<27968xf32, #tpu.memory_space<hbm>>
      %dma_wait3A_94 = tpu.memref_slice %arg4[%add3A_90] : memref<2684354xf32, #tpu.memory_space<hbm>> -> memref<27968xf32, #tpu.memory_space<hbm>>
      %dma_wait3A_95 = arith.constant 0 : i32
      %dma_wait3A_96 = tpu.memref_slice %arg5[%dma_wait3A_95] : memref<27968xf32, #tpu.memory_space<vmem>> -> memref<27968xf32, #tpu.memory_space<vmem>>
      tpu.wait_dma2 semaphore(%arg12 : memref<!tpu.dma_semaphore, #tpu.memory_space<semaphore_mem>>) src(%dma_wait3A_96 : memref<27968xf32, #tpu.memory_space<vmem>>) dst(%dma_wait3A_94 : memref<27968xf32, #tpu.memory_space<hbm>>)
      %add3A_97 = arith.constant 27968 : i32
      %add3A_98 = arith.addi %mul3A_8, %add3A_97 : i32
      %dma_wait3A_99 = arith.constant 0 : i32
      %dma_wait3A_100 = tpu.memref_slice %arg6[%dma_wait3A_99] : memref<27968xf32, #tpu.memory_space<vmem>> -> memref<27968xf32, #tpu.memory_space<vmem>>
      %dma_wait3A_101 = tpu.memref_slice %arg4[%add3A_98] : memref<2684354xf32, #tpu.memory_space<hbm>> -> memref<27968xf32, #tpu.memory_space<hbm>>
      %dma_wait3A_102 = tpu.memref_slice %arg4[%add3A_98] : memref<2684354xf32, #tpu.memory_space<hbm>> -> memref<27968xf32, #tpu.memory_space<hbm>>
      %dma_wait3A_103 = arith.constant 0 : i32
      %dma_wait3A_104 = tpu.memref_slice %arg6[%dma_wait3A_103] : memref<27968xf32, #tpu.memory_space<vmem>> -> memref<27968xf32, #tpu.memory_space<vmem>>
      tpu.wait_dma2 semaphore(%arg13 : memref<!tpu.dma_semaphore, #tpu.memory_space<semaphore_mem>>) src(%dma_wait3A_104 : memref<27968xf32, #tpu.memory_space<vmem>>) dst(%dma_wait3A_102 : memref<27968xf32, #tpu.memory_space<hbm>>)
      %add3A_105 = arith.constant 55936 : i32
      %add3A_106 = arith.addi %mul3A_8, %add3A_105 : i32
      %dma_wait3A_107 = arith.constant 0 : i32
      %dma_wait3A_108 = tpu.memref_slice %arg7[%dma_wait3A_107] : memref<27968xf32, #tpu.memory_space<vmem>> -> memref<27968xf32, #tpu.memory_space<vmem>>
      %dma_wait3A_109 = tpu.memref_slice %arg4[%add3A_106] : memref<2684354xf32, #tpu.memory_space<hbm>> -> memref<27968xf32, #tpu.memory_space<hbm>>
      %dma_wait3A_110 = tpu.memref_slice %arg4[%add3A_106] : memref<2684354xf32, #tpu.memory_space<hbm>> -> memref<27968xf32, #tpu.memory_space<hbm>>
      %dma_wait3A_111 = arith.constant 0 : i32
      %dma_wait3A_112 = tpu.memref_slice %arg7[%dma_wait3A_111] : memref<27968xf32, #tpu.memory_space<vmem>> -> memref<27968xf32, #tpu.memory_space<vmem>>
      tpu.wait_dma2 semaphore(%arg14 : memref<!tpu.dma_semaphore, #tpu.memory_space<semaphore_mem>>) src(%dma_wait3A_112 : memref<27968xf32, #tpu.memory_space<vmem>>) dst(%dma_wait3A_110 : memref<27968xf32, #tpu.memory_space<hbm>>)
    } else {
    }
    %eq3A = arith.constant 31 : i32
    %eq3A_3 = arith.cmpi eq, %add3A, %eq3A : i32
    %convert_element_type3A_4 = arith.extui %eq3A_3 : i1 to i32
    %cond3A_5 = arith.constant 0 : i32
    %cond3A_6 = arith.cmpi ne, %convert_element_type3A_4, %cond3A_5 : i32
    scf.if %cond3A_6 {
      %dma_start3A = arith.constant 0 : i32
      %dma_start3A_7 = tpu.memref_slice %arg5[%dma_start3A] : memref<27968xf32, #tpu.memory_space<vmem>> -> memref<27968xf32, #tpu.memory_space<vmem>>
      %dma_start3A_8 = arith.constant 2601024 : i32
      %dma_start3A_9 = tpu.memref_slice %arg2[%dma_start3A_8] : memref<2684354xf32, #tpu.memory_space<hbm>> -> memref<27968xf32, #tpu.memory_space<hbm>>
      %dma_start3A_10 = arith.constant 0 : i32
      %dma_start3A_11 = tpu.memref_slice %arg5[%dma_start3A_10] : memref<27968xf32, #tpu.memory_space<vmem>> -> memref<27968xf32, #tpu.memory_space<vmem>>
      %dma_start3A_12 = arith.constant 2601024 : i32
      %dma_start3A_13 = tpu.memref_slice %arg2[%dma_start3A_12] : memref<2684354xf32, #tpu.memory_space<hbm>> -> memref<27968xf32, #tpu.memory_space<hbm>>
      tpu.enqueue_dma source(%dma_start3A_13 : memref<27968xf32, #tpu.memory_space<hbm>>) target(%dma_start3A_11 : memref<27968xf32, #tpu.memory_space<vmem>>) target_semaphore(%arg9 : memref<!tpu.dma_semaphore, #tpu.memory_space<semaphore_mem>>)
      %dma_start3A_14 = arith.constant 0 : i32
      %dma_start3A_15 = tpu.memref_slice %arg6[%dma_start3A_14] : memref<27968xf32, #tpu.memory_space<vmem>> -> memref<27968xf32, #tpu.memory_space<vmem>>
      %dma_start3A_16 = arith.constant 2628992 : i32
      %dma_start3A_17 = tpu.memref_slice %arg2[%dma_start3A_16] : memref<2684354xf32, #tpu.memory_space<hbm>> -> memref<27968xf32, #tpu.memory_space<hbm>>
      %dma_start3A_18 = arith.constant 0 : i32
      %dma_start3A_19 = tpu.memref_slice %arg6[%dma_start3A_18] : memref<27968xf32, #tpu.memory_space<vmem>> -> memref<27968xf32, #tpu.memory_space<vmem>>
      %dma_start3A_20 = arith.constant 2628992 : i32
      %dma_start3A_21 = tpu.memref_slice %arg2[%dma_start3A_20] : memref<2684354xf32, #tpu.memory_space<hbm>> -> memref<27968xf32, #tpu.memory_space<hbm>>
      tpu.enqueue_dma source(%dma_start3A_21 : memref<27968xf32, #tpu.memory_space<hbm>>) target(%dma_start3A_19 : memref<27968xf32, #tpu.memory_space<vmem>>) target_semaphore(%arg10 : memref<!tpu.dma_semaphore, #tpu.memory_space<semaphore_mem>>)
      %dma_start3A_22 = arith.constant 0 : i32
      %dma_start3A_23 = tpu.memref_slice %arg7[%dma_start3A_22] : memref<27968xf32, #tpu.memory_space<vmem>> -> memref<27394xf32, #tpu.memory_space<vmem>>
      %dma_start3A_24 = arith.constant 2656960 : i32
      %dma_start3A_25 = tpu.memref_slice %arg2[%dma_start3A_24] : memref<2684354xf32, #tpu.memory_space<hbm>> -> memref<27394xf32, #tpu.memory_space<hbm>>
      %dma_start3A_26 = arith.constant 0 : i32
      %dma_start3A_27 = tpu.memref_slice %arg7[%dma_start3A_26] : memref<27968xf32, #tpu.memory_space<vmem>> -> memref<27394xf32, #tpu.memory_space<vmem>>
      %dma_start3A_28 = arith.constant 2656960 : i32
      %dma_start3A_29 = tpu.memref_slice %arg2[%dma_start3A_28] : memref<2684354xf32, #tpu.memory_space<hbm>> -> memref<27394xf32, #tpu.memory_space<hbm>>
      tpu.enqueue_dma source(%dma_start3A_29 : memref<27394xf32, #tpu.memory_space<hbm>>) target(%dma_start3A_27 : memref<27394xf32, #tpu.memory_space<vmem>>) target_semaphore(%arg11 : memref<!tpu.dma_semaphore, #tpu.memory_space<semaphore_mem>>)
      "tpu.region"() ({
        %run_scoped3A = tpu.sem_alloc : memref<!tpu.dma_semaphore, #tpu.memory_space<semaphore_mem>>
        tpu.enqueue_dma source(%arg3 : memref<16xf32, #tpu.memory_space<hbm>>) target(%arg8 : memref<16xf32, #tpu.memory_space<vmem>>) target_semaphore(%run_scoped3A : memref<!tpu.dma_semaphore, #tpu.memory_space<semaphore_mem>>)
        tpu.wait_dma2 semaphore(%run_scoped3A : memref<!tpu.dma_semaphore, #tpu.memory_space<semaphore_mem>>) src(%arg3 : memref<16xf32, #tpu.memory_space<hbm>>) dst(%arg8 : memref<16xf32, #tpu.memory_space<vmem>>)
        tpu.yield
      }) : () -> ()
      %get3A = arith.constant 0 : index
      %get3A_30 = tpu.vector_load %arg8[%get3A] {strides = array<i32>} : memref<16xf32, #tpu.memory_space<vmem>>, vector<16xf32>,
      %get3A_31 = vector.shape_cast %get3A_30 : vector<16xf32> to vector<16xf32>
      %dma_wait3A = arith.constant 0 : i32
      %dma_wait3A_32 = tpu.memref_slice %arg5[%dma_wait3A] : memref<27968xf32, #tpu.memory_space<vmem>> -> memref<27968xf32, #tpu.memory_space<vmem>>
      %dma_wait3A_33 = arith.constant 2601024 : i32
      %dma_wait3A_34 = tpu.memref_slice %arg2[%dma_wait3A_33] : memref<2684354xf32, #tpu.memory_space<hbm>> -> memref<27968xf32, #tpu.memory_space<hbm>>
      %dma_wait3A_35 = arith.constant 0 : i32
      %dma_wait3A_36 = tpu.memref_slice %arg5[%dma_wait3A_35] : memref<27968xf32, #tpu.memory_space<vmem>> -> memref<27968xf32, #tpu.memory_space<vmem>>
      %dma_wait3A_37 = arith.constant 2601024 : i32
      %dma_wait3A_38 = tpu.memref_slice %arg2[%dma_wait3A_37] : memref<2684354xf32, #tpu.memory_space<hbm>> -> memref<27968xf32, #tpu.memory_space<hbm>>
      tpu.wait_dma2 semaphore(%arg9 : memref<!tpu.dma_semaphore, #tpu.memory_space<semaphore_mem>>) src(%dma_wait3A_38 : memref<27968xf32, #tpu.memory_space<hbm>>) dst(%dma_wait3A_36 : memref<27968xf32, #tpu.memory_space<vmem>>)
      %parallel_loop3A = arith.constant 0 : i32
      %parallel_loop3A_39 = arith.constant 27968 : i32
      %parallel_loop3A_40 = arith.constant 16 : i32
      scf.for %parallel_loop3A_111 = %parallel_loop3A to %parallel_loop3A_39 step %parallel_loop3A_40  : i32 {
        %parallel_loop3A_112 = tpu.assume_multiple %parallel_loop3A_111, 16 : i32
        %parallel_loop3A_113 = arith.index_cast %parallel_loop3A_112 : i32 to index
        %parallel_loop3A_114 = tpu.vector_load %arg5[%parallel_loop3A_113] {strides = array<i32>} : memref<27968xf32, #tpu.memory_space<vmem>>, vector<16xf32>,
        %parallel_loop3A_115 = vector.shape_cast %parallel_loop3A_114 : vector<16xf32> to vector<16xf32>
        %parallel_loop3A_116 = arith.mulf %parallel_loop3A_115, %get3A_31 : vector<16xf32>
        %parallel_loop3A_117 = math.exp %parallel_loop3A_116 : vector<16xf32>
        %parallel_loop3A_118 = arith.index_cast %parallel_loop3A_112 : i32 to index
        %parallel_loop3A_119 = tpu.vector_load %arg5[%parallel_loop3A_118] {strides = array<i32>} : memref<27968xf32, #tpu.memory_space<vmem>>, vector<16xf32>,
        %parallel_loop3A_120 = vector.shape_cast %parallel_loop3A_119 : vector<16xf32> to vector<16xf32>
        %parallel_loop3A_121 = vector.shape_cast %parallel_loop3A_117 : vector<16xf32> to vector<16xf32>
        tpu.vector_store %arg5[%parallel_loop3A_118], %parallel_loop3A_121 {strides = array<i32>} : memref<27968xf32, #tpu.memory_space<vmem>>, vector<16xf32>,
      } {sc.loop_unroll_factor = 8 : i64, sc.parallel_access}
      %dma_start3A_41 = arith.constant 0 : i32
      %dma_start3A_42 = tpu.memref_slice %arg5[%dma_start3A_41] : memref<27968xf32, #tpu.memory_space<vmem>> -> memref<27968xf32, #tpu.memory_space<vmem>>
      %dma_start3A_43 = arith.constant 2601024 : i32
      %dma_start3A_44 = tpu.memref_slice %arg4[%dma_start3A_43] : memref<2684354xf32, #tpu.memory_space<hbm>> -> memref<27968xf32, #tpu.memory_space<hbm>>
      %dma_start3A_45 = arith.constant 2601024 : i32
      %dma_start3A_46 = tpu.memref_slice %arg4[%dma_start3A_45] : memref<2684354xf32, #tpu.memory_space<hbm>> -> memref<27968xf32, #tpu.memory_space<hbm>>
      %dma_start3A_47 = arith.constant 0 : i32
      %dma_start3A_48 = tpu.memref_slice %arg5[%dma_start3A_47] : memref<27968xf32, #tpu.memory_space<vmem>> -> memref<27968xf32, #tpu.memory_space<vmem>>
      tpu.enqueue_dma source(%dma_start3A_48 : memref<27968xf32, #tpu.memory_space<vmem>>) target(%dma_start3A_46 : memref<27968xf32, #tpu.memory_space<hbm>>) target_semaphore(%arg12 : memref<!tpu.dma_semaphore, #tpu.memory_space<semaphore_mem>>)
      %dma_wait3A_49 = arith.constant 0 : i32
      %dma_wait3A_50 = tpu.memref_slice %arg6[%dma_wait3A_49] : memref<27968xf32, #tpu.memory_space<vmem>> -> memref<27968xf32, #tpu.memory_space<vmem>>
      %dma_wait3A_51 = arith.constant 2628992 : i32
      %dma_wait3A_52 = tpu.memref_slice %arg2[%dma_wait3A_51] : memref<2684354xf32, #tpu.memory_space<hbm>> -> memref<27968xf32, #tpu.memory_space<hbm>>
      %dma_wait3A_53 = arith.constant 0 : i32
      %dma_wait3A_54 = tpu.memref_slice %arg6[%dma_wait3A_53] : memref<27968xf32, #tpu.memory_space<vmem>> -> memref<27968xf32, #tpu.memory_space<vmem>>
      %dma_wait3A_55 = arith.constant 2628992 : i32
      %dma_wait3A_56 = tpu.memref_slice %arg2[%dma_wait3A_55] : memref<2684354xf32, #tpu.memory_space<hbm>> -> memref<27968xf32, #tpu.memory_space<hbm>>
      tpu.wait_dma2 semaphore(%arg10 : memref<!tpu.dma_semaphore, #tpu.memory_space<semaphore_mem>>) src(%dma_wait3A_56 : memref<27968xf32, #tpu.memory_space<hbm>>) dst(%dma_wait3A_54 : memref<27968xf32, #tpu.memory_space<vmem>>)
      %parallel_loop3A_57 = arith.constant 0 : i32
      %parallel_loop3A_58 = arith.constant 27968 : i32
      %parallel_loop3A_59 = arith.constant 16 : i32
      scf.for %parallel_loop3A_111 = %parallel_loop3A_57 to %parallel_loop3A_58 step %parallel_loop3A_59  : i32 {
        %parallel_loop3A_112 = tpu.assume_multiple %parallel_loop3A_111, 16 : i32
        %parallel_loop3A_113 = arith.index_cast %parallel_loop3A_112 : i32 to index
        %parallel_loop3A_114 = tpu.vector_load %arg6[%parallel_loop3A_113] {strides = array<i32>} : memref<27968xf32, #tpu.memory_space<vmem>>, vector<16xf32>,
        %parallel_loop3A_115 = vector.shape_cast %parallel_loop3A_114 : vector<16xf32> to vector<16xf32>
        %parallel_loop3A_116 = arith.mulf %parallel_loop3A_115, %get3A_31 : vector<16xf32>
        %parallel_loop3A_117 = math.exp %parallel_loop3A_116 : vector<16xf32>
        %parallel_loop3A_118 = arith.index_cast %parallel_loop3A_112 : i32 to index
        %parallel_loop3A_119 = tpu.vector_load %arg6[%parallel_loop3A_118] {strides = array<i32>} : memref<27968xf32, #tpu.memory_space<vmem>>, vector<16xf32>,
        %parallel_loop3A_120 = vector.shape_cast %parallel_loop3A_119 : vector<16xf32> to vector<16xf32>
        %parallel_loop3A_121 = vector.shape_cast %parallel_loop3A_117 : vector<16xf32> to vector<16xf32>
        tpu.vector_store %arg6[%parallel_loop3A_118], %parallel_loop3A_121 {strides = array<i32>} : memref<27968xf32, #tpu.memory_space<vmem>>, vector<16xf32>,
      } {sc.loop_unroll_factor = 8 : i64, sc.parallel_access}
      %dma_start3A_60 = arith.constant 0 : i32
      %dma_start3A_61 = tpu.memref_slice %arg6[%dma_start3A_60] : memref<27968xf32, #tpu.memory_space<vmem>> -> memref<27968xf32, #tpu.memory_space<vmem>>
      %dma_start3A_62 = arith.constant 2628992 : i32
      %dma_start3A_63 = tpu.memref_slice %arg4[%dma_start3A_62] : memref<2684354xf32, #tpu.memory_space<hbm>> -> memref<27968xf32, #tpu.memory_space<hbm>>
      %dma_start3A_64 = arith.constant 2628992 : i32
      %dma_start3A_65 = tpu.memref_slice %arg4[%dma_start3A_64] : memref<2684354xf32, #tpu.memory_space<hbm>> -> memref<27968xf32, #tpu.memory_space<hbm>>
      %dma_start3A_66 = arith.constant 0 : i32
      %dma_start3A_67 = tpu.memref_slice %arg6[%dma_start3A_66] : memref<27968xf32, #tpu.memory_space<vmem>> -> memref<27968xf32, #tpu.memory_space<vmem>>
      tpu.enqueue_dma source(%dma_start3A_67 : memref<27968xf32, #tpu.memory_space<vmem>>) target(%dma_start3A_65 : memref<27968xf32, #tpu.memory_space<hbm>>) target_semaphore(%arg13 : memref<!tpu.dma_semaphore, #tpu.memory_space<semaphore_mem>>)
      %dma_wait3A_68 = arith.constant 0 : i32
      %dma_wait3A_69 = tpu.memref_slice %arg7[%dma_wait3A_68] : memref<27968xf32, #tpu.memory_space<vmem>> -> memref<27394xf32, #tpu.memory_space<vmem>>
      %dma_wait3A_70 = arith.constant 2656960 : i32
      %dma_wait3A_71 = tpu.memref_slice %arg2[%dma_wait3A_70] : memref<2684354xf32, #tpu.memory_space<hbm>> -> memref<27394xf32, #tpu.memory_space<hbm>>
      %dma_wait3A_72 = arith.constant 0 : i32
      %dma_wait3A_73 = tpu.memref_slice %arg7[%dma_wait3A_72] : memref<27968xf32, #tpu.memory_space<vmem>> -> memref<27394xf32, #tpu.memory_space<vmem>>
      %dma_wait3A_74 = arith.constant 2656960 : i32
      %dma_wait3A_75 = tpu.memref_slice %arg2[%dma_wait3A_74] : memref<2684354xf32, #tpu.memory_space<hbm>> -> memref<27394xf32, #tpu.memory_space<hbm>>
      tpu.wait_dma2 semaphore(%arg11 : memref<!tpu.dma_semaphore, #tpu.memory_space<semaphore_mem>>) src(%dma_wait3A_75 : memref<27394xf32, #tpu.memory_space<hbm>>) dst(%dma_wait3A_73 : memref<27394xf32, #tpu.memory_space<vmem>>)
      %parallel_loop3A_76 = arith.constant 0 : i32
      %parallel_loop3A_77 = arith.constant 27408 : i32
      %parallel_loop3A_78 = arith.constant 16 : i32
      scf.for %parallel_loop3A_111 = %parallel_loop3A_76 to %parallel_loop3A_77 step %parallel_loop3A_78  : i32 {
        %parallel_loop3A_112 = tpu.assume_multiple %parallel_loop3A_111, 16 : i32
        %parallel_loop3A_113 = arith.index_cast %parallel_loop3A_112 : i32 to index
        %parallel_loop3A_114 = tpu.vector_load %arg7[%parallel_loop3A_113] {strides = array<i32>} : memref<27968xf32, #tpu.memory_space<vmem>>, vector<16xf32>,
        %parallel_loop3A_115 = vector.shape_cast %parallel_loop3A_114 : vector<16xf32> to vector<16xf32>
        %parallel_loop3A_116 = arith.mulf %parallel_loop3A_115, %get3A_31 : vector<16xf32>
        %parallel_loop3A_117 = math.exp %parallel_loop3A_116 : vector<16xf32>
        %parallel_loop3A_118 = arith.index_cast %parallel_loop3A_112 : i32 to index
        %parallel_loop3A_119 = tpu.vector_load %arg7[%parallel_loop3A_118] {strides = array<i32>} : memref<27968xf32, #tpu.memory_space<vmem>>, vector<16xf32>,
        %parallel_loop3A_120 = vector.shape_cast %parallel_loop3A_119 : vector<16xf32> to vector<16xf32>
        %parallel_loop3A_121 = vector.shape_cast %parallel_loop3A_117 : vector<16xf32> to vector<16xf32>
        tpu.vector_store %arg7[%parallel_loop3A_118], %parallel_loop3A_121 {strides = array<i32>} : memref<27968xf32, #tpu.memory_space<vmem>>, vector<16xf32>,
      } {sc.loop_unroll_factor = 8 : i64, sc.parallel_access}
      %dma_start3A_79 = arith.constant 0 : i32
      %dma_start3A_80 = tpu.memref_slice %arg7[%dma_start3A_79] : memref<27968xf32, #tpu.memory_space<vmem>> -> memref<27394xf32, #tpu.memory_space<vmem>>
      %dma_start3A_81 = arith.constant 2656960 : i32
      %dma_start3A_82 = tpu.memref_slice %arg4[%dma_start3A_81] : memref<2684354xf32, #tpu.memory_space<hbm>> -> memref<27394xf32, #tpu.memory_space<hbm>>
      %dma_start3A_83 = arith.constant 2656960 : i32
      %dma_start3A_84 = tpu.memref_slice %arg4[%dma_start3A_83] : memref<2684354xf32, #tpu.memory_space<hbm>> -> memref<27394xf32, #tpu.memory_space<hbm>>
      %dma_start3A_85 = arith.constant 0 : i32
      %dma_start3A_86 = tpu.memref_slice %arg7[%dma_start3A_85] : memref<27968xf32, #tpu.memory_space<vmem>> -> memref<27394xf32, #tpu.memory_space<vmem>>
      tpu.enqueue_dma source(%dma_start3A_86 : memref<27394xf32, #tpu.memory_space<vmem>>) target(%dma_start3A_84 : memref<27394xf32, #tpu.memory_space<hbm>>) target_semaphore(%arg14 : memref<!tpu.dma_semaphore, #tpu.memory_space<semaphore_mem>>)
      %dma_wait3A_87 = arith.constant 0 : i32
      %dma_wait3A_88 = tpu.memref_slice %arg5[%dma_wait3A_87] : memref<27968xf32, #tpu.memory_space<vmem>> -> memref<27968xf32, #tpu.memory_space<vmem>>
      %dma_wait3A_89 = arith.constant 2601024 : i32
      %dma_wait3A_90 = tpu.memref_slice %arg4[%dma_wait3A_89] : memref<2684354xf32, #tpu.memory_space<hbm>> -> memref<27968xf32, #tpu.memory_space<hbm>>
      %dma_wait3A_91 = arith.constant 2601024 : i32
      %dma_wait3A_92 = tpu.memref_slice %arg4[%dma_wait3A_91] : memref<2684354xf32, #tpu.memory_space<hbm>> -> memref<27968xf32, #tpu.memory_space<hbm>>
      %dma_wait3A_93 = arith.constant 0 : i32
      %dma_wait3A_94 = tpu.memref_slice %arg5[%dma_wait3A_93] : memref<27968xf32, #tpu.memory_space<vmem>> -> memref<27968xf32, #tpu.memory_space<vmem>>
      tpu.wait_dma2 semaphore(%arg12 : memref<!tpu.dma_semaphore, #tpu.memory_space<semaphore_mem>>) src(%dma_wait3A_94 : memref<27968xf32, #tpu.memory_space<vmem>>) dst(%dma_wait3A_92 : memref<27968xf32, #tpu.memory_space<hbm>>)
      %dma_wait3A_95 = arith.constant 0 : i32
      %dma_wait3A_96 = tpu.memref_slice %arg6[%dma_wait3A_95] : memref<27968xf32, #tpu.memory_space<vmem>> -> memref<27968xf32, #tpu.memory_space<vmem>>
      %dma_wait3A_97 = arith.constant 2628992 : i32
      %dma_wait3A_98 = tpu.memref_slice %arg4[%dma_wait3A_97] : memref<2684354xf32, #tpu.memory_space<hbm>> -> memref<27968xf32, #tpu.memory_space<hbm>>
      %dma_wait3A_99 = arith.constant 2628992 : i32
      %dma_wait3A_100 = tpu.memref_slice %arg4[%dma_wait3A_99] : memref<2684354xf32, #tpu.memory_space<hbm>> -> memref<27968xf32, #tpu.memory_space<hbm>>
      %dma_wait3A_101 = arith.constant 0 : i32
      %dma_wait3A_102 = tpu.memref_slice %arg6[%dma_wait3A_101] : memref<27968xf32, #tpu.memory_space<vmem>> -> memref<27968xf32, #tpu.memory_space<vmem>>
      tpu.wait_dma2 semaphore(%arg13 : memref<!tpu.dma_semaphore, #tpu.memory_space<semaphore_mem>>) src(%dma_wait3A_102 : memref<27968xf32, #tpu.memory_space<vmem>>) dst(%dma_wait3A_100 : memref<27968xf32, #tpu.memory_space<hbm>>)
      %dma_wait3A_103 = arith.constant 0 : i32
      %dma_wait3A_104 = tpu.memref_slice %arg7[%dma_wait3A_103] : memref<27968xf32, #tpu.memory_space<vmem>> -> memref<27394xf32, #tpu.memory_space<vmem>>
      %dma_wait3A_105 = arith.constant 2656960 : i32
      %dma_wait3A_106 = tpu.memref_slice %arg4[%dma_wait3A_105] : memref<2684354xf32, #tpu.memory_space<hbm>> -> memref<27394xf32, #tpu.memory_space<hbm>>
      %dma_wait3A_107 = arith.constant 2656960 : i32
      %dma_wait3A_108 = tpu.memref_slice %arg4[%dma_wait3A_107] : memref<2684354xf32, #tpu.memory_space<hbm>> -> memref<27394xf32, #tpu.memory_space<hbm>>
      %dma_wait3A_109 = arith.constant 0 : i32
      %dma_wait3A_110 = tpu.memref_slice %arg7[%dma_wait3A_109] : memref<27968xf32, #tpu.memory_space<vmem>> -> memref<27394xf32, #tpu.memory_space<vmem>>
      tpu.wait_dma2 semaphore(%arg14 : memref<!tpu.dma_semaphore, #tpu.memory_space<semaphore_mem>>) src(%dma_wait3A_110 : memref<27394xf32, #tpu.memory_space<vmem>>) dst(%dma_wait3A_108 : memref<27394xf32, #tpu.memory_space<hbm>>)
    } else {
    }
    return
  }
}

</mosaic_0001>

<sc_bundles>
// kernel: kernel.3.cloned.1.call-start
scs
__scs_entry_jumppad:
0x0: {  	(pc) =	sbr.rel $0x88, $3  }
0x1: {  	(tag) =	ssettag $0x0;
	lr =	simm.s32 $0x1  }
0x2: {  	[smem:$0x3F9F] =	sst lr;
	_ =	strace $0xD0000000  }
0x3: {  	_ = 	snop  }
0x4: {  	_ = 	snop  }
0x5: {  	_ = 	snop  }
0x6: {  	_ = 	snop  }
0x7: {  	_ = 	snop  }
__scs_overlays_trampoline_lowered:
0x8: {  	[smem:$0x3FAE] =	sst s0  }
0x9: {  	[smem:$0x3FAF] =	sst s1  }
0xa: {  	[smem:$0x3FB0] =	sst s2  }
0xb: {  	[smem:$0x3FB1] =	sst s3  }
0xc: {  	[smem:$0x3FB2] =	sst s4  }
0xd: {  	[smem:$0x3FB3] =	sst s5  }
0xe: {  	[smem:$0x3FB4] =	sst s6  }
0xf: {  	[smem:$0x3FB5] =	sst s7  }
0x10: {  	[smem:$0x3FB6] =	sst s8  }
0x11: {  	[smem:$0x3FB7] =	sst s9;
	s0 =	simm.s32 @!p0 $0x0  }
0x12: {  	s1 =	sld [smem:$0x3F9D];
	s0 =	simm.s32 @p0 $0x1  }
0x13: {  	[smem:$0x3FB8] =	sst s0;
	s0 =	simm.s32 @!p1 $0x0  }
0x14: {  	s2 =	sld [smem:$0x3F9C];
	s0 =	simm.s32 @p1 $0x1  }
0x15: {  	[smem:$0x3FB9] =	sst s0;
	s0 =	simm.s32 @!p2 $0x0  }
0x16: {  	s3 =	sld [smem:$0x3FDB];
	s0 =	simm.s32 @p2 $0x1  }
0x17: {  	s4 =	simm.s32 $0x1BF5;
	[smem:$0x3FBB] =	sst s0  }
0x18: {  	s0 =	sld [smem:$0x3F9E];
	_ =	swait.ge [sflag:s4], $0x0  }
0x19: {  	s7 =	sld [smem:$0x3F9F]  }
0x1a: {  	s8 =	sadd.s32 $0xFFFFE003, lr  }
0x1b: {  	s9 =	sadd.s32 $0xFFFFFEF7, lr;
	s5 =	simm.s32 $0xFFFFFFFF;
	p2 =	slt.u32 s8, $0xFFFFF086  }
0x1c: {  	p1 =	slt.u32 s9, $0xF7A;
	s5 =	simm.s32 @!p2 $0x0  }
0x1d: {  	s5 =	simm.s32 @p1 $0x1;
	p0 =	seq.s32 s7, s2  }
0x1e: {  	s7 =	smul.u32 @!p0 $0xF7A, s2;
	p2 =	seq.s32 @!p0 s5, $0x0  }
0x1f: {  	s9 =	smul.u32 $0xF7A, s1;
	s8 =	simm.s32 @!p0 $0x1BF5;
	p2 =	por !p2, p0  }
0x20: {  	[sflag:s8] =	ssyncset.s32 @!p0 $0xFFFFF086;
	s6 =	sadd.s32 @!p0 s3, s7;
	s7 =	simm.s32 @!p0 $0x108  }
0x21: {  	s3 =	sadd.s32 s3, s9;
	s6 =	sadd.s32 @!p0 $0x88, s6;
	s7 =	simm.s32 @p2 $0x1082  }
0x22: {  	[simem:s7], [sflag:s8] =	dma.local @!p0 [hbm:s6], $0xF7A  }
0x23: {  	s9 =	sor.u32 $0xD0000000, s2;
	s6 =	simm.s32 $0x108;
	_ =	swait.ge @!p0 [sflag:s8], $0x0  }
0x24: {  	s3 =	sadd.s32 $0x88, s3;
	s6 =	simm.s32 @!p1 $0x1082;
	[sflag:s4] =	ssyncset.s32 $0xFFFFF086  }
0x25: {  	[simem:s6], [sflag:s4] =	dma.local [hbm:s3], $0xF7A  }
0x26: {  	[smem:$0x3F9F] =	sst s1;
	(tag) =	ssettag s2;
	_ =	strace s9  }
0x27: {  	s1 =	sld [smem:$0x3FAF]  }
0x28: {  	s2 =	sld [smem:$0x3FB0]  }
0x29: {  	s4 =	sld [smem:$0x3FB2]  }
0x2a: {  	p0 =	seq.s32 s5, $0x0;
	s5 =	sld [smem:$0x3FB3]  }
0x2b: {  	s6 =	sld [smem:$0x3FB4]  }
0x2c: {  	s7 =	sld [smem:$0x3FB5]  }
0x2d: {  	s3 =	simm.s32 $0x108;
	s8 =	sld [smem:$0x3FB6]  }
0x2e: {  	s3 =	simm.s32 @!p0 $0x1082;
	s9 =	sld [smem:$0x3FB7]  }
0x2f: {  	lr =	sadd.s32 s0, s3;
	s0 =	sld [smem:$0x3FAE]  }
0x30: {  	s3 =	sld [smem:$0x3FB1]  }
0x31: {  	[smem:$0x3FBA] =	sst s10  }
0x32: {  	s10 =	sld [smem:$0x3FB8];
	_ =	sdelay $0x3  }
0x33: {  	p0 =	seq.s32 s10, $0x1;
	s10 =	sld [smem:$0x3FBA];
	_ =	sdelay $0x3  }
0x34: {  	[smem:$0x3FBA] =	sst s10  }
0x35: {  	s10 =	sld [smem:$0x3FB9];
	_ =	sdelay $0x3  }
0x36: {  	p1 =	seq.s32 s10, $0x1;
	s10 =	sld [smem:$0x3FBA];
	_ =	sdelay $0x3  }
0x37: {  	[smem:$0x3FBA] =	sst s10  }
0x38: {  	s10 =	sld [smem:$0x3FBB]  }
0x39: {  	_ = 	snop;
	(pc) =	sbr.ind lr, $3  }
0x3a: {  	_ = 	snop  }
0x3b: {  	_ = 	snop  }
0x3c: {  	p2 =	seq.s32 s10, $0x1;
	s10 =	sld [smem:$0x3FBA]  }
0x3d: {  	_ =	shalt  }
0x3e: {  	_ =	shalt  }
0x3f: {  	_ =	shalt  }
0x40: {  	_ =	shalt  }
0x41: {  	_ =	shalt  }
0x42: {  	_ =	shalt  }
0x43: {  	_ =	shalt  }
0x44: {  	_ =	shalt  }
0x45: {  	_ =	shalt  }
0x46: {  	_ =	shalt  }
0x47: {  	_ =	shalt  }
0x48: {  	_ =	shalt  }
0x49: {  	_ =	shalt  }
0x4a: {  	_ =	shalt  }
0x4b: {  	_ =	shalt  }
0x4c: {  	_ =	shalt  }
0x4d: {  	_ =	shalt  }
0x4e: {  	_ =	shalt  }
0x4f: {  	_ =	shalt  }
0x50: {  	_ =	shalt  }
0x51: {  	_ =	shalt  }
0x52: {  	_ =	shalt  }
0x53: {  	_ =	shalt  }
0x54: {  	_ =	shalt  }
0x55: {  	_ =	shalt  }
0x56: {  	_ =	shalt  }
0x57: {  	_ =	shalt  }
0x58: {  	_ =	shalt  }
0x59: {  	_ =	shalt  }
0x5a: {  	_ =	shalt  }
0x5b: {  	_ =	shalt  }
0x5c: {  	_ =	shalt  }
0x5d: {  	_ =	shalt  }
0x5e: {  	_ =	shalt  }
0x5f: {  	_ =	shalt  }
0x60: {  	_ =	shalt  }
0x61: {  	_ =	shalt  }
0x62: {  	_ =	shalt  }
0x63: {  	_ =	shalt  }
0x64: {  	_ =	shalt  }
0x65: {  	_ =	shalt  }
0x66: {  	_ =	shalt  }
0x67: {  	_ =	shalt  }
0x68: {  	_ =	shalt  }
0x69: {  	_ =	shalt  }
0x6a: {  	_ =	shalt  }
0x6b: {  	_ =	shalt  }
0x6c: {  	_ =	shalt  }
0x6d: {  	_ =	shalt  }
0x6e: {  	_ =	shalt  }
0x6f: {  	_ =	shalt  }
0x70: {  	_ =	shalt  }
0x71: {  	_ =	shalt  }
0x72: {  	_ =	shalt  }
0x73: {  	_ =	shalt  }
0x74: {  	_ =	shalt  }
0x75: {  	_ =	shalt  }
0x76: {  	_ =	shalt  }
0x77: {  	_ =	shalt  }
0x78: {  	_ =	shalt  }
0x79: {  	_ =	shalt  }
0x7a: {  	_ =	shalt  }
0x7b: {  	_ =	shalt  }
0x7c: {  	_ =	shalt  }
0x7d: {  	_ =	shalt  }
0x7e: {  	_ =	shalt  }
0x7f: {  	_ =	shalt  }
0x80: {  	_ =	shalt  }
0x81: {  	_ =	shalt  }
0x82: {  	_ =	shalt  }
0x83: {  	_ =	shalt  }
0x84: {  	_ =	shalt  }
0x85: {  	_ =	shalt  }
0x86: {  	_ =	shalt  }
0x87: {  	_ =	shalt  }
.Lfunc_end0:
.L_simem_size_0:
called_computation_lowered:
.L_overlay_start_0:
0x88: {  	s2 =	sld [smem:$0x3FD9]  }
0x89: {  	s3 =	sld [smem:$0x3FFE];
	_ =	sdelay $0x1  }
0x8a: {  	s1 =	srdreg.scid  }
0x8b: {  	s0 =	sand.u32 $0x1, s1  }
0x8c: {  	s17 =	sshll.u32 s0, $0xA;
	s2 =	sadd.s32 s3, s2  }
0x8d: {  	s2 =	sadd.s32 s2, s17  }
0x8e: {  	[smem:$0x3FC6] =	sst s2  }
0x8f: {  	_ = 	snop  }
0x90: {  	s2 =	sld [smem:$0x3FC9]  }
0x91: {  	s18 =	sld [smem:$0x3FD0];
	(tm) =	ssettm $0x1  }
0x92: {  	s4 =	sld [smem:$0x3FFB];
	_ =	sdelay $0x3  }
0x93: {  	_ =	strace s4  }
0x94: {  	s4 =	sld [smem:$0x3FFC];
	_ =	sdelay $0x3  }
0x95: {  	_ =	strace s4  }
0x96: {  	s4 =	sld [smem:$0x3FFD];
	_ =	sdelay $0x3  }
0x97: {  	_ =	strace s4  }
0x98: {  	_ =	strace $0x8FFFFFFF  }
0x99: {  	s19 =	sld [smem:$0x3FDB];
	_ =	sdelay $0x1  }
0x9a: {  	s5 =	simm.s32 $_scs_section_size  }
0x9b: {  	s6 =	simm.s32 $_size__tile_overlayer_lowered;
	s7 =	simm.s32 $_tile_overlayer_lowered  }
0x9c: {  	s22 =	simm.s32 $0x1BFF;
	s21 =	sshll.u32 s7, $0x1;
	s4 =	sadd.s32 s5, s19  }
0x9d: {  	s8 =	simm.s32 $0x0;
	s20 =	sshll.u32 s6, $0x1;
	s6 =	sadd.s32 s21, s4  }
0x9e: {  	[timem:s8], [sflag:s22] =	dma.local [hbm:s6], s20  }
0x9f: {  	_ =	swait.ge [sflag:s22], s20  }
0xa0: {  	s5 =	ssub.s32 $0x0, s20;
	[sflag:s22] =	ssyncset.done $0x0  }
0xa1: {  	[sflag:s22] =	ssyncadd.s32 s5;
	_ =	sdelay $0x1  }
0xa2: {  	s23 =	simm.s32 $0x1B8B  }
0xa3: {  	_ =	swait.ge [sflag:s23], $0x1  }
0xa4: {  	[sflag:s23] =	ssyncset.done $0x0  }
0xa5: {  	s25 =	simm.s32 $0x1B8E;
	s24 =	sld [smem:$0x3FFE];
	[sflag:s23] =	ssyncadd.s32 $0xFFFFFFFF  }
0xa6: {  	s26 =	simm.s32 $execute0_lowered;
	[smem:$0x3FD2] =	sst s25  }
0xa7: {  	s6 =	sshll.u32 s26, $0x1;
	_ =	strace $0x80000046;
	[dreg:$0x1] =	wrdreg $0xFFFFFFFF  }
0xa8: {  	s28 =	simm.s32 $_size_execute0_lowered;
	s4 =	sadd.s32 s4, s6;
	[dreg:$0x0] =	wrdreg $0x0  }
0xa9: {  	s6 =	sshll.u32 s28, $0x1;
	[dreg:$0x2] =	wrdreg s4  }
0xaa: {  	[dreg:$0x3] =	wrdreg s6  }
0xab: {  	[dreg:$0x4] =	wrdreg $0xC0  }
0xac: {  	_ =	task [dreg:s8], $0x5FFFF  }
0xad: {  	[dreg:$0x1] =	wrdreg $0xFFFFFFFF  }
0xae: {  	[dreg:$0x0] =	wrdreg $0x60  }
0xaf: {  	[dreg:$0x2] =	wrdreg s2  }
0xb0: {  	[dreg:$0x3] =	wrdreg s24  }
0xb1: {  	[dreg:$0x4] =	wrdreg s18  }
0xb2: {  	[dreg:$0x5] =	wrdreg $0x9  }
0xb3: {  	_ =	task.clear_ibuf [dreg:s8], $0x6FFFF;
	_ =	strace $0x90000046  }
0xb4: {  	s29 =	simm.s32 $0x9;
	_ =	strace $0x80000048  }
0xb5: {  	_ =	swait.ge [sflag:s29], $0x1  }
0xb6: {  	[sflag:s29] =	ssyncadd.s32 $0xFFFFFFFF  }
0xb7: {  	_ =	strace $0x90000048  }
0xb8: {  	_ =	sfence  }
0xb9: {  	s30 =	sld [smem:$0x0];
	_ =	sdelay $0x2  }
0xba: {  	s31 =	sshll.u32 s1, $0xD;
	s1 =	sshrl.u32 s1, $0x2  }
0xbb: {  	s3 =	sand.u32 $0x4000, s31;
	s1 =	sadd.s32 s1, s30  }
0xbc: {  	s0 =	sor.u32 s3, s0;
	s1 =	sshll.u32 s1, $0x11  }
0xbd: {  	s0 =	sor.u32 s1, s0  }
0xbe: {  	s0 =	sadd.s32 $0x8F2B, s0  }
0xbf: {  	[sflag:s0] =	ssyncadd.remote.s32 $0x1  }
0xc0: {  	_ =	sfence.sel $0xFFFF  }
0xc1: {  	[dreg:$0x0] =	wrdreg $0xFFFFFFFF;
	(pc) =	sbr.abs _section_cstart, $3  }
0xc2: {  	[dreg:$0x1] =	wrdreg $0xFFFFFFFF  }
0xc3: {  	_ =	task.clear_ibuf [dreg:s8], $0x2FFFF;
	_ =	strace $0x9FFFFFFF  }
0xc4: {  	(tm) =	ssettm $0x7FFFFFFF  }
0xc5: {  	_ =	shalt  }
tec
execute0_lowered:
.L_overlay_start_1:
0x0: {  	(tag) =	ssettag $0x1  }
0x1: {  	s0 =	rddreg [dreg:$0x0]  }
0x2: {  	s1 =	srdreg.scid;
	s3 =	rddreg [dreg:$0x1]  }
0x3: {  	s15 =	rddreg [dreg:$0x2];
	s5 =	stileid.u32  }
0x4: {  	s2 =	simm.s32 $0x0;
	s18 =	simm.s32 $0xDB00;
	s20 =	simm.s32 $0x7  }
0x5: {  	s21 =	simm.s32 $0x1;
	s22 =	simm.s32 $0x2;
	s23 =	simm.s32 $0x3  }
0x6: {  	s24 =	simm.s32 $0x4;
	s25 =	simm.s32 $0x5;
	s26 =	simm.s32 $0x6  }
0x7: {  	s28 =	simm.s32 $0x0;
	s1 =	sand.u32 $0x1, s1;
	[smem:$0x7FF] =	sst s2  }
0x8: {  	s3 =	sadd.s32 $0x400, s3;
	s10 =	sadd.s32 $0x4F608, s0;
	s11 =	sadd.s32 $0x503B0, s0  }
0x9: {  	s12 =	sadd.s32 $0x51158, s0;
	s13 =	sadd.s32 $0x4F608, s15;
	s4 =	sshll.u32 s1, $0x4  }
0xa: {  	s14 =	sadd.s32 $0x503B0, s15;
	s1 =	ssub.s32 $0x2, s1;
	s17 =	sor.u32 s5, s4  }
0xb: {  	_ =	strace $0x80000047;
	s31 =	sshrl.u32 s1, $0x1;
	s4 =	smul.u32 $0x147C0, s17  }
.Ltmp0:
0xc: {  	s1 =	ssub.s32 s1, s31;
	p0 =	seq.s32 s17, $0x1F;
	(pc) =	sbr.rel .LBB2_1-.Ltmp0, $4  }
0xd: {  	s17 =	simm.s32 $0x6D80;
	s16 =	smax.u32 s1, $0x1;
	s7 =	sshrl.u32 s4, $0x3  }
0xe: {  	s4 =	sadd.s32 s0, s7;
	s8 =	sadd.s32 $0xDA8, s7;
	s9 =	sadd.s32 $0x1B50, s7  }
0xf: {  	s7 =	sadd.s32 s15, s7;
	s5 =	sadd.s32 s0, s8;
	s6 =	sadd.s32 s0, s9  }
0x10: {  	s8 =	sadd.s32 s15, s8;
	s9 =	sadd.s32 s15, s9;
	s15 =	sadd.s32 $0x51158, s15  }
.LBB2_25:
0x11: {  	v6 =	vmul.f32 v6, v0  }
0x12: {  	(erf) = vpow2.f32 v3;
	v46 =	vmul.f32 $1.442695020e+00, v4  }
0x13: {  	(erf) = vpow2.f32 v9;
	v47 =	vmul.f32 $1.442695020e+00, v6  }
0x14: {  	v1 =	vmul.f32 $1.442695020e+00, v1;
	(erf) = vpow2.f32 v7  }
0x15: {  	v49 =	vpop (erf);
	v2 =	vmul.f32 v2, v0;
	[tilespmem:s29+$0xFFFFFFE0] =	vst v5;
	(erf) = vpow2.f32 v47  }
0x16: {  	v48 =	vmul.f32 $1.442695020e+00, v8;
	[tilespmem:s29+$0x20] =	vst v49;
	v50 =	vpop (erf);
	(erf) = vpow2.f32 v46  }
0x17: {  	[tilespmem:s29+$0x10] =	vst v50;
	v51 =	vpop (erf);
	v2 =	vmul.f32 $1.442695020e+00, v2;
	(erf) = vpow2.f32 v1  }
0x18: {  	v52 =	vpop (erf);
	[tilespmem:s29+$0xFFFFFFF0] =	vst v51;
	(erf) = vpow2.f32 v48  }
0x19: {  	v53 =	vpop (erf);
	[tilespmem:s29+$0x0] =	vst v52;
	(erf) = vpow2.f32 v2  }
0x1a: {  	[tilespmem:s29+$0x30] =	vst v53;
	v54 =	vpop (erf)  }
0x1b: {  	[tilespmem:s29+$0xFFFFFFD0] =	vst v54;
	v55 =	vpop (erf)  }
0x1c: {  	v56 =	vpop (erf);
	[tilespmem:s30+$0xFFFFFFC0] =	vst v55  }
0x1d: {  	v57 =	vpop (erf);
	[tilespmem:s30+$0xFFFFFFE0] =	vst v56  }
0x1e: {  	[tilespmem:s30+$0x20] =	vst v57;
	v58 =	vpop (erf)  }
0x1f: {  	[tilespmem:s30+$0x10] =	vst v58;
	v59 =	vpop (erf)  }
0x20: {  	v60 =	vpop (erf);
	[tilespmem:s30+$0xFFFFFFF0] =	vst v59  }
0x21: {  	v61 =	vpop (erf);
	[tilespmem:s30+$0x0] =	vst v60  }
0x22: {  	[tilespmem:s30+$0x30] =	vst v61;
	v62 =	vpop (erf)  }
0x23: {  	[tilespmem:s30+$0xFFFFFFD0] =	vst v62  }
0x24: {  	v1 =	vld [tilespmem:$0x14600];
	_ =	sdelay $0x4  }
0x25: {  	v63 =	vmul.f32 v1, v0;
	_ =	sdelay $0x1  }
0x26: {  	v0 =	vmul.f32 $1.442695020e+00, v63;
	_ =	sdelay $0x1  }
0x27: {  	(erf) = vpow2.f32 v0;
	_ =	sdelay $0x8  }
0x28: {  	v0 =	vpop (erf)  }
0x29: {  	[tilespmem:$0x14600] =	vst v0  }
0x2a: {  	[hbm4b:s15+s2] =	stream.linear.scatter [tilespmem:s18], [sflag:$0x6], $0x6B02, $0x38;
	[tilespmem:$0x14900] =	vst v63  }
0x2b: {  	_ =	swait.ge [sflag:s24], $0x6D40  }
0x2c: {  	[sflag:s24] =	ssyncset.done $0x0  }
0x2d: {  	[sflag:s24] =	ssyncadd.s32 $0xFFFF92C0  }
0x2e: {  	_ =	swait.ge [sflag:s25], $0x6D40  }
0x2f: {  	[sflag:s25] =	ssyncset.done $0x0  }
0x30: {  	[sflag:s25] =	ssyncadd.s32 $0xFFFF92C0  }
0x31: {  	_ =	swait.ge [sflag:s26], $0x6B02  }
0x32: {  	[sflag:s26] =	ssyncset.done $0x0  }
0x33: {  	[sflag:s26] =	ssyncadd.s32 $0xFFFF94FE  }
.LBB2_26:
0x34: {  	s28 =	sadd.s32 $0x1, s28  }
0x35: {  	p1 =	sne.s32 s28, s16  }
.Ltmp1:
0x36: {  	_ = 	snop;
	(pc) =	sbr.rel @!p1 .LBB2_27-.Ltmp1, $1  }
0x37: {  	_ =	sdelay $0x3  }
.LBB2_1:
.Ltmp2:
0x38: {  	(pc) =	sbr.rel @!p0 .LBB2_2-.Ltmp2, $1  }
0x39: {  	_ =	sdelay $0x3  }
0x3a: {  	[tilespmem:s2], [sflag:$0x1] =	stream.linear.gather [hbm4b:s10+s2], $0x6D40, $0x38;
	[tilespmem:$0x14900] =	vst v63  }
0x3b: {  	_ = 	snop  }
0x3c: {  	[tilespmem:s17], [sflag:$0x2] =	stream.linear.gather [hbm4b:s11+s2], $0x6D40, $0x38;
	[tilespmem:$0x14900] =	vst v63  }
0x3d: {  	_ = 	snop  }
0x3e: {  	[tilespmem:s18], [sflag:$0x3] =	stream.linear.gather [hbm4b:s12+s2], $0x6B02, $0x38;
	[tilespmem:$0x14900] =	vst v63  }
0x3f: {  	s0 =	simm.s32 $0x14880  }
0x40: {  	[tilespmem:s0], [sflag:$0x7] =	stream.linear.gather [hbm4b:s3+s2], $0x80, $0x38;
	[tilespmem:$0x14900] =	vst v63  }
0x41: {  	_ =	swait.ge [sflag:s20], $0x80  }
0x42: {  	[sflag:s20] =	ssyncset.done $0x0  }
0x43: {  	[sflag:s20] =	ssyncadd.s32 $0xFFFFFF80  }
0x44: {  	v0 =	vld [tilespmem:$0x14880];
	_ =	swait.ge [sflag:s21], $0x6D40  }
0x45: {  	[sflag:s21] =	ssyncset.done $0x0  }
0x46: {  	s29 =	simm.s32 $0x40;
	[sflag:s21] =	ssyncadd.s32 $0xFFFF92C0  }
0x47: {  	v1 =	vld [tilespmem:s29+$0xFFFFFFC0]  }
0x48: {  	v2 =	vld [tilespmem:s29+$0x0]  }
0x49: {  	v3 =	vld [tilespmem:s29+$0x20]  }
0x4a: {  	v4 =	vld [tilespmem:s29+$0x30]  }
0x4b: {  	v5 =	vld [tilespmem:s29+$0x10]  }
0x4c: {  	v6 =	vld [tilespmem:s29+$0xFFFFFFE0]  }
0x4d: {  	v7 =	vld [tilespmem:s29+$0xFFFFFFF0]  }
0x4e: {  	v8 =	vld [tilespmem:s29+$0xFFFFFFD0]  }
0x4f: {  	v2 =	vmul.f32 v2, v0  }
0x50: {  	v1 =	vmul.f32 v1, v0;
	v3 =	vmul.f32 v3, v0  }
0x51: {  	v4 =	vmul.f32 v4, v0;
	v5 =	vmul.f32 v5, v0  }
0x52: {  	v6 =	vmul.f32 v6, v0;
	v7 =	vmul.f32 v7, v0  }
0x53: {  	s30 =	simm.s32 $0xC0;
	v8 =	vmul.f32 v8, v0;
	v1 =	vmul.f32 $1.442695020e+00, v1  }
0x54: {  	v9 =	vld [tilespmem:s30+$0xFFFFFFC0];
	v2 =	vmul.f32 $1.442695020e+00, v2;
	v3 =	vmul.f32 $1.442695020e+00, v3  }
0x55: {  	v10 =	vld [tilespmem:s30+$0x0];
	v4 =	vmul.f32 $1.442695020e+00, v4;
	(erf) = vpow2.f32 v1  }
0x56: {  	v11 =	vld [tilespmem:s30+$0x30];
	v6 =	vmul.f32 $1.442695020e+00, v6;
	(erf) = vpow2.f32 v2  }
0x57: {  	v7 =	vmul.f32 $1.442695020e+00, v7;
	v1 =	vld [tilespmem:s30+$0x20];
	(erf) = vpow2.f32 v3  }
0x58: {  	v3 =	vmul.f32 $1.442695020e+00, v8;
	(erf) = vpow2.f32 v4  }
0x59: {  	v2 =	vmul.f32 v9, v0;
	v9 =	vld [tilespmem:s30+$0x10];
	(erf) = vpow2.f32 v6  }
0x5a: {  	v5 =	vmul.f32 $1.442695020e+00, v5;
	v6 =	vld [tilespmem:s30+$0xFFFFFFE0];
	(erf) = vpow2.f32 v3  }
0x5b: {  	v4 =	vmul.f32 v10, v0;
	(erf) = vpow2.f32 v7;
	v7 =	vld [tilespmem:s30+$0xFFFFFFF0]  }
0x5c: {  	v8 =	vmul.f32 v11, v0;
	v10 =	vmul.f32 v1, v0  }
0x5d: {  	v1 =	vld [tilespmem:s30+$0xFFFFFFD0];
	v3 =	vmul.f32 $1.442695020e+00, v4;
	(erf) = vpow2.f32 v5  }
0x5e: {  	s1 =	simm.s32 $0x80;
	s19 =	simm.s32 $0x140;
	v5 =	vmul.f32 v9, v0;
	v4 =	vmul.f32 $1.442695020e+00, v10;
	v9 =	vpop (erf)  }
.LBB2_16:
0x5f: {  	v10 =	vld [tilespmem:s19+$0xFFFFFFC0];
	s1 =	sadd.s32 $0x80, s1;
	v14 =	vmul.f32 $1.442695020e+00, v2;
	v6 =	vmul.f32 v6, v0;
	s31 =	simm.s32 $0x6CF0;
	s0 =	simm.s32 $0x6D00  }
0x60: {  	v8 =	vmul.f32 $1.442695020e+00, v8;
	v11 =	vld [tilespmem:s19+$0x20];
	p1 =	slt.u32 s1, $0x6C80;
	v7 =	vmul.f32 v7, v0;
	[tilespmem:s29+$0xFFFFFFC0] =	vst v9;
	v9 =	vpop (erf)  }
0x61: {  	v12 =	vld [tilespmem:s19+$0x0];
	v13 =	vmul.f32 $1.442695020e+00, v6;
	(erf) = vpow2.f32 v14;
	[tilespmem:s29+$0x0] =	vst v9;
	v2 =	vpop (erf)  }
0x62: {  	v5 =	vmul.f32 $1.442695020e+00, v5;
	v6 =	vmul.f32 v1, v0;
	v9 =	vld [tilespmem:s19+$0x10];
	[tilespmem:s29+$0x20] =	vst v2;
	v1 =	vpop (erf)  }
0x63: {  	v15 =	vmul.f32 $1.442695020e+00, v7;
	v14 =	vld [tilespmem:s19+$0x30];
	(erf) = vpow2.f32 v3;
	[tilespmem:s29+$0x30] =	vst v1;
	v3 =	vpop (erf)  }
0x64: {  	v2 =	vmul.f32 v10, v0;
	v1 =	vld [tilespmem:s19+$0xFFFFFFD0];
	(erf) = vpow2.f32 v4;
	[tilespmem:s29+$0xFFFFFFE0] =	vst v3;
	v3 =	vpop (erf)  }
0x65: {  	v4 =	vmul.f32 $1.442695020e+00, v6;
	(erf) = vpow2.f32 v8;
	[tilespmem:s29+$0xFFFFFFD0] =	vst v3;
	v3 =	vpop (erf)  }
.Ltmp3:
0x66: {  	v6 =	vld [tilespmem:s19+$0xFFFFFFE0];
	v8 =	vmul.f32 v12, v0;
	(erf) = vpow2.f32 v13;
	[tilespmem:s29+$0xFFFFFFF0] =	vst v3;
	v3 =	vpop (erf);
	(pc) =	sbr.rel @p1 .LBB2_16-.Ltmp3, $4  }
0x67: {  	v10 =	vmul.f32 v11, v0;
	v7 =	vld [tilespmem:s19+$0xFFFFFFF0];
	(erf) = vpow2.f32 v4;
	[tilespmem:s29+$0x10] =	vst v3;
	s29 =	smov.u32 s30;
	s30 =	smov.u32 s19  }
0x68: {  	v3 =	vmul.f32 $1.442695020e+00, v8;
	(erf) = vpow2.f32 v15  }
0x69: {  	v8 =	vmul.f32 v14, v0;
	(erf) = vpow2.f32 v5  }
0x6a: {  	v4 =	vmul.f32 $1.442695020e+00, v10;
	s19 =	sadd.s32 $0x80, s19;
	v5 =	vmul.f32 v9, v0;
	v9 =	vpop (erf)  }
0x6b: {  	v2 =	vmul.f32 $1.442695020e+00, v2;
	v6 =	vmul.f32 v6, v0  }
0x6c: {  	v8 =	vmul.f32 $1.442695020e+00, v8;
	v1 =	vmul.f32 v1, v0  }
0x6d: {  	v7 =	vmul.f32 v7, v0;
	(erf) = vpow2.f32 v2  }
0x6e: {  	v1 =	vmul.f32 $1.442695020e+00, v1;
	(erf) = vpow2.f32 v3  }
0x6f: {  	[tilespmem:s29+$0xFFFFFFC0] =	vst v9;
	v3 =	vmul.f32 $1.442695020e+00, v6;
	v2 =	vpop (erf);
	(erf) = vpow2.f32 v4  }
0x70: {  	[tilespmem:s29+$0x0] =	vst v2;
	v2 =	vpop (erf);
	(erf) = vpow2.f32 v8  }
0x71: {  	v63 =	vmul.f32 $1.442695020e+00, v7;
	[tilespmem:s29+$0x20] =	vst v2;
	v2 =	vpop (erf);
	(erf) = vpow2.f32 v3  }
0x72: {  	v3 =	vmul.f32 $1.442695020e+00, v5;
	[tilespmem:s29+$0x30] =	vst v2;
	v2 =	vpop (erf);
	(erf) = vpow2.f32 v1  }
0x73: {  	[tilespmem:s29+$0xFFFFFFE0] =	vst v2;
	v1 =	vpop (erf);
	(erf) = vpow2.f32 v63  }
0x74: {  	[tilespmem:s29+$0xFFFFFFD0] =	vst v1;
	v1 =	vpop (erf);
	(erf) = vpow2.f32 v3  }
0x75: {  	v2 =	vpop (erf);
	[tilespmem:s29+$0xFFFFFFF0] =	vst v1  }
0x76: {  	[tilespmem:s29+$0x10] =	vst v2;
	v1 =	vpop (erf)  }
0x77: {  	[tilespmem:s30+$0xFFFFFFC0] =	vst v1;
	v1 =	vpop (erf)  }
0x78: {  	[tilespmem:s30+$0x0] =	vst v1;
	v1 =	vpop (erf)  }
0x79: {  	[tilespmem:s30+$0x20] =	vst v1;
	v1 =	vpop (erf)  }
0x7a: {  	[tilespmem:s30+$0x30] =	vst v1;
	v1 =	vpop (erf)  }
0x7b: {  	[tilespmem:s30+$0xFFFFFFE0] =	vst v1;
	v1 =	vpop (erf)  }
0x7c: {  	[tilespmem:s30+$0xFFFFFFD0] =	vst v1;
	v1 =	vpop (erf)  }
0x7d: {  	[tilespmem:s30+$0xFFFFFFF0] =	vst v1;
	v1 =	vpop (erf)  }
0x7e: {  	[tilespmem:s30+$0x10] =	vst v1  }
.LBB2_18:
0x7f: {  	v1 =	vld [tilespmem:s0+$0x0];
	_ =	sdelay $0x4  }
0x80: {  	v1 =	vmul.f32 v1, v0;
	_ =	sdelay $0x1  }
0x81: {  	v1 =	vmul.f32 $1.442695020e+00, v1;
	_ =	sdelay $0x1  }
0x82: {  	(erf) = vpow2.f32 v1;
	_ =	sdelay $0x3  }
0x83: {  	s31 =	sadd.s32 $0x10, s31  }
0x84: {  	p1 =	slt.u32 s31, $0x6D30  }
.Ltmp4:
0x85: {  	_ = 	snop;
	(pc) =	sbr.rel @p1 .LBB2_18-.Ltmp4, $3  }
0x86: {  	_ =	sdelay $0x1  }
0x87: {  	v1 =	vpop (erf)  }
0x88: {  	[tilespmem:s0+$0x0] =	vst v1;
	s0 =	sadd.s32 $0x10, s0  }
0x89: {  	[hbm4b:s13+s2] =	stream.linear.scatter [tilespmem:s2], [sflag:$0x4], $0x6D40, $0x38;
	[tilespmem:$0x14900] =	vst v63  }
0x8a: {  	_ =	swait.ge [sflag:s22], $0x6D40  }
0x8b: {  	[sflag:s22] =	ssyncset.done $0x0  }
0x8c: {  	s30 =	simm.s32 $0x6DC0;
	[sflag:s22] =	ssyncadd.s32 $0xFFFF92C0  }
0x8d: {  	v1 =	vld [tilespmem:s30+$0xFFFFFFC0]  }
0x8e: {  	v2 =	vld [tilespmem:s30+$0x0]  }
0x8f: {  	v3 =	vld [tilespmem:s30+$0x20]  }
0x90: {  	v4 =	vld [tilespmem:s30+$0x30]  }
0x91: {  	v5 =	vld [tilespmem:s30+$0x10]  }
0x92: {  	v6 =	vld [tilespmem:s30+$0xFFFFFFE0]  }
0x93: {  	v7 =	vld [tilespmem:s30+$0xFFFFFFF0]  }
0x94: {  	v8 =	vld [tilespmem:s30+$0xFFFFFFD0]  }
0x95: {  	v2 =	vmul.f32 v2, v0  }
0x96: {  	v1 =	vmul.f32 v1, v0;
	v3 =	vmul.f32 v3, v0  }
0x97: {  	v4 =	vmul.f32 v4, v0;
	v5 =	vmul.f32 v5, v0  }
0x98: {  	v6 =	vmul.f32 v6, v0;
	v7 =	vmul.f32 v7, v0  }
0x99: {  	s29 =	simm.s32 $0x6E40;
	v8 =	vmul.f32 v8, v0;
	v1 =	vmul.f32 $1.442695020e+00, v1  }
0x9a: {  	v9 =	vld [tilespmem:s29+$0xFFFFFFC0];
	v2 =	vmul.f32 $1.442695020e+00, v2;
	v3 =	vmul.f32 $1.442695020e+00, v3  }
0x9b: {  	v10 =	vld [tilespmem:s29+$0x0];
	v4 =	vmul.f32 $1.442695020e+00, v4;
	(erf) = vpow2.f32 v1  }
0x9c: {  	v11 =	vld [tilespmem:s29+$0x30];
	v6 =	vmul.f32 $1.442695020e+00, v6;
	(erf) = vpow2.f32 v2  }
0x9d: {  	v7 =	vmul.f32 $1.442695020e+00, v7;
	v1 =	vld [tilespmem:s29+$0x20];
	(erf) = vpow2.f32 v3  }
0x9e: {  	v3 =	vmul.f32 $1.442695020e+00, v8;
	(erf) = vpow2.f32 v4  }
0x9f: {  	v2 =	vmul.f32 v9, v0;
	v9 =	vld [tilespmem:s29+$0x10];
	(erf) = vpow2.f32 v6  }
0xa0: {  	v5 =	vmul.f32 $1.442695020e+00, v5;
	v6 =	vld [tilespmem:s29+$0xFFFFFFE0];
	(erf) = vpow2.f32 v3  }
0xa1: {  	v4 =	vmul.f32 v10, v0;
	(erf) = vpow2.f32 v7;
	v7 =	vld [tilespmem:s29+$0xFFFFFFF0]  }
0xa2: {  	v8 =	vmul.f32 v11, v0;
	v10 =	vmul.f32 v1, v0  }
0xa3: {  	v1 =	vld [tilespmem:s29+$0xFFFFFFD0];
	v3 =	vmul.f32 $1.442695020e+00, v4;
	(erf) = vpow2.f32 v5  }
0xa4: {  	s0 =	simm.s32 $0x80;
	s1 =	simm.s32 $0x6EC0;
	v5 =	vmul.f32 v9, v0;
	v4 =	vmul.f32 $1.442695020e+00, v10;
	v9 =	vpop (erf)  }
.LBB2_20:
0xa5: {  	v10 =	vld [tilespmem:s1+$0xFFFFFFC0];
	s0 =	sadd.s32 $0x80, s0;
	v14 =	vmul.f32 $1.442695020e+00, v2;
	v6 =	vmul.f32 v6, v0;
	s31 =	simm.s32 $0xDA80  }
0xa6: {  	v8 =	vmul.f32 $1.442695020e+00, v8;
	v11 =	vld [tilespmem:s1+$0x20];
	p1 =	slt.u32 s0, $0x6C80;
	v7 =	vmul.f32 v7, v0;
	[tilespmem:s30+$0xFFFFFFC0] =	vst v9;
	v9 =	vpop (erf)  }
0xa7: {  	v12 =	vld [tilespmem:s1+$0x0];
	v13 =	vmul.f32 $1.442695020e+00, v6;
	(erf) = vpow2.f32 v14;
	[tilespmem:s30+$0x0] =	vst v9;
	v2 =	vpop (erf)  }
0xa8: {  	v5 =	vmul.f32 $1.442695020e+00, v5;
	v6 =	vmul.f32 v1, v0;
	v9 =	vld [tilespmem:s1+$0x10];
	[tilespmem:s30+$0x20] =	vst v2;
	v1 =	vpop (erf)  }
0xa9: {  	v15 =	vmul.f32 $1.442695020e+00, v7;
	v14 =	vld [tilespmem:s1+$0x30];
	(erf) = vpow2.f32 v3;
	[tilespmem:s30+$0x30] =	vst v1;
	v3 =	vpop (erf)  }
0xaa: {  	v2 =	vmul.f32 v10, v0;
	v1 =	vld [tilespmem:s1+$0xFFFFFFD0];
	(erf) = vpow2.f32 v4;
	[tilespmem:s30+$0xFFFFFFE0] =	vst v3;
	v3 =	vpop (erf)  }
0xab: {  	v4 =	vmul.f32 $1.442695020e+00, v6;
	(erf) = vpow2.f32 v8;
	[tilespmem:s30+$0xFFFFFFD0] =	vst v3;
	v3 =	vpop (erf)  }
.Ltmp5:
0xac: {  	v6 =	vld [tilespmem:s1+$0xFFFFFFE0];
	v8 =	vmul.f32 v12, v0;
	(erf) = vpow2.f32 v13;
	[tilespmem:s30+$0xFFFFFFF0] =	vst v3;
	v3 =	vpop (erf);
	(pc) =	sbr.rel @p1 .LBB2_20-.Ltmp5, $4  }
0xad: {  	v10 =	vmul.f32 v11, v0;
	v7 =	vld [tilespmem:s1+$0xFFFFFFF0];
	(erf) = vpow2.f32 v4;
	[tilespmem:s30+$0x10] =	vst v3;
	s30 =	smov.u32 s29;
	s29 =	smov.u32 s1  }
0xae: {  	v3 =	vmul.f32 $1.442695020e+00, v8;
	(erf) = vpow2.f32 v15  }
0xaf: {  	v8 =	vmul.f32 v14, v0;
	(erf) = vpow2.f32 v5  }
0xb0: {  	v4 =	vmul.f32 $1.442695020e+00, v10;
	s1 =	sadd.s32 $0x80, s1;
	v5 =	vmul.f32 v9, v0;
	v9 =	vpop (erf)  }
0xb1: {  	v2 =	vmul.f32 $1.442695020e+00, v2;
	v6 =	vmul.f32 v6, v0  }
0xb2: {  	v8 =	vmul.f32 $1.442695020e+00, v8;
	v1 =	vmul.f32 v1, v0  }
0xb3: {  	v7 =	vmul.f32 v7, v0;
	(erf) = vpow2.f32 v2  }
0xb4: {  	v1 =	vmul.f32 $1.442695020e+00, v1;
	(erf) = vpow2.f32 v3  }
0xb5: {  	[tilespmem:s30+$0xFFFFFFC0] =	vst v9;
	v3 =	vmul.f32 $1.442695020e+00, v6;
	v2 =	vpop (erf);
	(erf) = vpow2.f32 v4  }
0xb6: {  	[tilespmem:s30+$0x0] =	vst v2;
	v2 =	vpop (erf);
	(erf) = vpow2.f32 v8  }
0xb7: {  	v63 =	vmul.f32 $1.442695020e+00, v7;
	[tilespmem:s30+$0x20] =	vst v2;
	v2 =	vpop (erf);
	(erf) = vpow2.f32 v3  }
0xb8: {  	v3 =	vmul.f32 $1.442695020e+00, v5;
	[tilespmem:s30+$0x30] =	vst v2;
	v2 =	vpop (erf);
	(erf) = vpow2.f32 v1  }
0xb9: {  	[tilespmem:s30+$0xFFFFFFE0] =	vst v2;
	v1 =	vpop (erf);
	(erf) = vpow2.f32 v63  }
0xba: {  	[tilespmem:s30+$0xFFFFFFD0] =	vst v1;
	v1 =	vpop (erf);
	(erf) = vpow2.f32 v3  }
0xbb: {  	v2 =	vpop (erf);
	[tilespmem:s30+$0xFFFFFFF0] =	vst v1  }
0xbc: {  	[tilespmem:s30+$0x10] =	vst v2;
	v1 =	vpop (erf)  }
0xbd: {  	[tilespmem:s29+$0xFFFFFFC0] =	vst v1;
	v1 =	vpop (erf)  }
0xbe: {  	[tilespmem:s29+$0x0] =	vst v1;
	v1 =	vpop (erf)  }
0xbf: {  	[tilespmem:s29+$0x20] =	vst v1;
	v1 =	vpop (erf)  }
0xc0: {  	[tilespmem:s29+$0x30] =	vst v1;
	v1 =	vpop (erf)  }
0xc1: {  	[tilespmem:s29+$0xFFFFFFE0] =	vst v1;
	v1 =	vpop (erf)  }
0xc2: {  	[tilespmem:s29+$0xFFFFFFD0] =	vst v1;
	v1 =	vpop (erf)  }
0xc3: {  	[tilespmem:s29+$0xFFFFFFF0] =	vst v1;
	v1 =	vpop (erf)  }
0xc4: {  	s0 =	simm.s32 $0x6CF0;
	[tilespmem:s29+$0x10] =	vst v1  }
.LBB2_22:
0xc5: {  	v1 =	vld [tilespmem:s31+$0x0];
	_ =	sdelay $0x4  }
0xc6: {  	v1 =	vmul.f32 v1, v0;
	_ =	sdelay $0x1  }
0xc7: {  	v1 =	vmul.f32 $1.442695020e+00, v1;
	_ =	sdelay $0x1  }
0xc8: {  	(erf) = vpow2.f32 v1;
	_ =	sdelay $0x3  }
0xc9: {  	s0 =	sadd.s32 $0x10, s0  }
0xca: {  	p1 =	slt.u32 s0, $0x6D30  }
.Ltmp6:
0xcb: {  	_ = 	snop;
	(pc) =	sbr.rel @p1 .LBB2_22-.Ltmp6, $3  }
0xcc: {  	_ =	sdelay $0x1  }
0xcd: {  	v1 =	vpop (erf)  }
0xce: {  	[tilespmem:s31+$0x0] =	vst v1;
	s31 =	sadd.s32 $0x10, s31  }
0xcf: {  	[hbm4b:s14+s2] =	stream.linear.scatter [tilespmem:s17], [sflag:$0x5], $0x6D40, $0x38;
	[tilespmem:$0x14900] =	vst v63  }
0xd0: {  	_ =	swait.ge [sflag:s23], $0x6B02  }
0xd1: {  	[sflag:s23] =	ssyncset.done $0x0  }
0xd2: {  	s29 =	simm.s32 $0xDB40;
	[sflag:s23] =	ssyncadd.s32 $0xFFFF94FE  }
0xd3: {  	v1 =	vld [tilespmem:s29+$0xFFFFFFC0]  }
0xd4: {  	v2 =	vld [tilespmem:s29+$0x30]  }
0xd5: {  	v3 =	vld [tilespmem:s29+$0x20]  }
0xd6: {  	v4 =	vld [tilespmem:s29+$0xFFFFFFF0]  }
0xd7: {  	v5 =	vld [tilespmem:s29+$0xFFFFFFE0]  }
0xd8: {  	v6 =	vld [tilespmem:s29+$0x0]  }
0xd9: {  	v7 =	vld [tilespmem:s29+$0x10];
	_ =	sdelay $0x1  }
0xda: {  	v1 =	vmul.f32 v1, v0  }
0xdb: {  	v4 =	vmul.f32 v4, v0;
	v3 =	vmul.f32 v3, v0  }
0xdc: {  	v5 =	vmul.f32 v5, v0;
	v6 =	vmul.f32 v6, v0  }
0xdd: {  	v8 =	vld [tilespmem:s29+$0xFFFFFFD0];
	v2 =	vmul.f32 v2, v0;
	v7 =	vmul.f32 v7, v0  }
0xde: {  	s30 =	simm.s32 $0xDBC0;
	v1 =	vmul.f32 $1.442695020e+00, v1;
	v5 =	vmul.f32 $1.442695020e+00, v5  }
0xdf: {  	v9 =	vld [tilespmem:s30+$0xFFFFFFC0];
	v3 =	vmul.f32 $1.442695020e+00, v3;
	v2 =	vmul.f32 $1.442695020e+00, v2  }
0xe0: {  	(erf) = vpow2.f32 v1;
	v1 =	vmul.f32 $1.442695020e+00, v4  }
0xe1: {  	v11 =	vld [tilespmem:s30+$0x20];
	v4 =	vmul.f32 $1.442695020e+00, v7;
	(erf) = vpow2.f32 v5  }
0xe2: {  	v7 =	vmul.f32 v8, v0;
	v5 =	vld [tilespmem:s30+$0xFFFFFFF0];
	(erf) = vpow2.f32 v3  }
0xe3: {  	v10 =	vld [tilespmem:s30+$0x30];
	v3 =	vmul.f32 $1.442695020e+00, v6;
	(erf) = vpow2.f32 v4  }
0xe4: {  	v8 =	vld [tilespmem:s30+$0xFFFFFFE0];
	v4 =	vmul.f32 v9, v0;
	(erf) = vpow2.f32 v1  }
0xe5: {  	v9 =	vld [tilespmem:s30+$0x0];
	v1 =	vmul.f32 $1.442695020e+00, v7;
	(erf) = vpow2.f32 v3  }
0xe6: {  	v3 =	vmul.f32 $1.442695020e+00, v4;
	(erf) = vpow2.f32 v2  }
0xe7: {  	v6 =	vld [tilespmem:s30+$0x10];
	v4 =	vmul.f32 v5, v0;
	v5 =	vmul.f32 v11, v0;
	_ =	sdelay $0x1  }
0xe8: {  	v7 =	vmul.f32 v8, v0;
	(erf) = vpow2.f32 v1  }
0xe9: {  	v8 =	vmul.f32 v10, v0;
	v2 =	vld [tilespmem:s30+$0xFFFFFFD0];
	v1 =	vmul.f32 v9, v0;
	v11 =	vpop (erf)  }
0xea: {  	s0 =	simm.s32 $0x80;
	s1 =	simm.s32 $0xDC40;
	v9 =	vmul.f32 $1.442695020e+00, v7;
	v7 =	vmul.f32 $1.442695020e+00, v5;
	[tilespmem:s29+$0xFFFFFFC0] =	vst v11;
	v5 =	vpop (erf)  }
.LBB2_24:
0xeb: {  	v10 =	vld [tilespmem:s1+$0xFFFFFFC0];
	s0 =	sadd.s32 $0x80, s0;
	v6 =	vmul.f32 v6, v0;
	(erf) = vpow2.f32 v3;
	v3 =	vpop (erf)  }
0xec: {  	v4 =	vmul.f32 $1.442695020e+00, v4;
	v8 =	vmul.f32 $1.442695020e+00, v8;
	v11 =	vld [tilespmem:s1+$0x30];
	p1 =	slt.u32 s0, $0x6A80;
	[tilespmem:s29+$0x20] =	vst v3;
	v3 =	vpop (erf)  }
0xed: {  	v12 =	vld [tilespmem:s1+$0x20];
	v6 =	vmul.f32 $1.442695020e+00, v6;
	(erf) = vpow2.f32 v9;
	[tilespmem:s29+$0x10] =	vst v3;
	v3 =	vpop (erf)  }
0xee: {  	v2 =	vmul.f32 v2, v0;
	v9 =	vld [tilespmem:s1+$0xFFFFFFF0];
	(erf) = vpow2.f32 v7;
	[tilespmem:s29+$0xFFFFFFE0] =	vst v5;
	v5 =	vpop (erf)  }
0xef: {  	v13 =	vmul.f32 $1.442695020e+00, v1;
	v7 =	vld [tilespmem:s1+$0xFFFFFFE0];
	(erf) = vpow2.f32 v6;
	[tilespmem:s29+$0xFFFFFFF0] =	vst v3;
	v3 =	vpop (erf)  }
0xf0: {  	v6 =	vmul.f32 v10, v0;
	v10 =	vld [tilespmem:s1+$0x0];
	(erf) = vpow2.f32 v4;
	[tilespmem:s29+$0x30] =	vst v3  }
0xf1: {  	v2 =	vmul.f32 $1.442695020e+00, v2;
	(erf) = vpow2.f32 v13;
	[tilespmem:s29+$0x0] =	vst v5;
	v1 =	vpop (erf)  }
.Ltmp7:
0xf2: {  	v3 =	vmul.f32 $1.442695020e+00, v6;
	v6 =	vld [tilespmem:s1+$0x10];
	(erf) = vpow2.f32 v8;
	[tilespmem:s29+$0xFFFFFFD0] =	vst v1;
	s29 =	smov.u32 s30;
	s30 =	smov.u32 s1;
	(pc) =	sbr.rel @p1 .LBB2_24-.Ltmp7, $4  }
0xf3: {  	v12 =	vmul.f32 v12, v0;
	v4 =	vmul.f32 v9, v0  }
0xf4: {  	v7 =	vmul.f32 v7, v0;
	v9 =	vpop (erf);
	(erf) = vpow2.f32 v2  }
0xf5: {  	v8 =	vmul.f32 v11, v0;
	v2 =	vld [tilespmem:s1+$0xFFFFFFD0];
	v1 =	vmul.f32 v10, v0;
	[tilespmem:s29+$0xFFFFFFC0] =	vst v9  }
0xf6: {  	s1 =	sadd.s32 $0x80, s1;
	v9 =	vmul.f32 $1.442695020e+00, v7;
	v7 =	vmul.f32 $1.442695020e+00, v12;
	v5 =	vpop (erf)  }
.Ltmp8:
0xf7: {  	_ = 	snop;
	(pc) =	sbr.rel .LBB2_25-.Ltmp8, $1  }
0xf8: {  	_ =	sdelay $0x3  }
.LBB2_2:
0xf9: {  	[tilespmem:s2], [sflag:$0x1] =	stream.linear.gather [hbm4b:s4+s2], $0x6D40, $0x38;
	[tilespmem:$0x14900] =	vst v63  }
0xfa: {  	_ = 	snop  }
0xfb: {  	[tilespmem:s17], [sflag:$0x2] =	stream.linear.gather [hbm4b:s5+s2], $0x6D40, $0x38;
	[tilespmem:$0x14900] =	vst v63  }
0xfc: {  	_ = 	snop  }
0xfd: {  	[tilespmem:s18], [sflag:$0x3] =	stream.linear.gather [hbm4b:s6+s2], $0x6D40, $0x38;
	[tilespmem:$0x14900] =	vst v63  }
0xfe: {  	s0 =	simm.s32 $0x14880  }
0xff: {  	[tilespmem:s0], [sflag:$0x7] =	stream.linear.gather [hbm4b:s3+s2], $0x80, $0x38;
	[tilespmem:$0x14900] =	vst v63  }
0x100: {  	_ =	swait.ge [sflag:s20], $0x80  }
0x101: {  	[sflag:s20] =	ssyncset.done $0x0  }
0x102: {  	[sflag:s20] =	ssyncadd.s32 $0xFFFFFF80  }
0x103: {  	v0 =	vld [tilespmem:$0x14880];
	_ =	swait.ge [sflag:s21], $0x6D40  }
0x104: {  	[sflag:s21] =	ssyncset.done $0x0  }
0x105: {  	s29 =	simm.s32 $0x40;
	[sflag:s21] =	ssyncadd.s32 $0xFFFF92C0  }
0x106: {  	v1 =	vld [tilespmem:s29+$0xFFFFFFC0]  }
0x107: {  	v2 =	vld [tilespmem:s29+$0x0]  }
0x108: {  	v3 =	vld [tilespmem:s29+$0x20]  }
0x109: {  	v4 =	vld [tilespmem:s29+$0x30]  }
0x10a: {  	v5 =	vld [tilespmem:s29+$0x10]  }
0x10b: {  	v6 =	vld [tilespmem:s29+$0xFFFFFFE0]  }
0x10c: {  	v7 =	vld [tilespmem:s29+$0xFFFFFFF0]  }
0x10d: {  	v8 =	vld [tilespmem:s29+$0xFFFFFFD0]  }
0x10e: {  	v2 =	vmul.f32 v2, v0  }
0x10f: {  	v1 =	vmul.f32 v1, v0;
	v3 =	vmul.f32 v3, v0  }
0x110: {  	v4 =	vmul.f32 v4, v0;
	v5 =	vmul.f32 v5, v0  }
0x111: {  	v6 =	vmul.f32 v6, v0;
	v7 =	vmul.f32 v7, v0  }
0x112: {  	s30 =	simm.s32 $0xC0;
	v8 =	vmul.f32 v8, v0;
	v1 =	vmul.f32 $1.442695020e+00, v1  }
0x113: {  	v9 =	vld [tilespmem:s30+$0xFFFFFFC0];
	v2 =	vmul.f32 $1.442695020e+00, v2;
	v3 =	vmul.f32 $1.442695020e+00, v3  }
0x114: {  	v10 =	vld [tilespmem:s30+$0x0];
	v4 =	vmul.f32 $1.442695020e+00, v4;
	(erf) = vpow2.f32 v1  }
0x115: {  	v11 =	vld [tilespmem:s30+$0x30];
	v6 =	vmul.f32 $1.442695020e+00, v6;
	(erf) = vpow2.f32 v2  }
0x116: {  	v7 =	vmul.f32 $1.442695020e+00, v7;
	v1 =	vld [tilespmem:s30+$0x20];
	(erf) = vpow2.f32 v3  }
0x117: {  	v3 =	vmul.f32 $1.442695020e+00, v8;
	(erf) = vpow2.f32 v4  }
0x118: {  	v2 =	vmul.f32 v9, v0;
	v9 =	vld [tilespmem:s30+$0x10];
	(erf) = vpow2.f32 v6  }
0x119: {  	v5 =	vmul.f32 $1.442695020e+00, v5;
	v6 =	vld [tilespmem:s30+$0xFFFFFFE0];
	(erf) = vpow2.f32 v3  }
0x11a: {  	v4 =	vmul.f32 v10, v0;
	(erf) = vpow2.f32 v7;
	v7 =	vld [tilespmem:s30+$0xFFFFFFF0]  }
0x11b: {  	v8 =	vmul.f32 v11, v0;
	v10 =	vmul.f32 v1, v0  }
0x11c: {  	v1 =	vld [tilespmem:s30+$0xFFFFFFD0];
	v3 =	vmul.f32 $1.442695020e+00, v4;
	(erf) = vpow2.f32 v5  }
0x11d: {  	s1 =	simm.s32 $0x80;
	s19 =	simm.s32 $0x140;
	v5 =	vmul.f32 v9, v0;
	v4 =	vmul.f32 $1.442695020e+00, v10;
	v9 =	vpop (erf)  }
.LBB2_3:
0x11e: {  	v10 =	vld [tilespmem:s19+$0xFFFFFFC0];
	s1 =	sadd.s32 $0x80, s1;
	v14 =	vmul.f32 $1.442695020e+00, v2;
	v6 =	vmul.f32 v6, v0;
	s31 =	simm.s32 $0x6CF0;
	s0 =	simm.s32 $0x6D00  }
0x11f: {  	v8 =	vmul.f32 $1.442695020e+00, v8;
	v11 =	vld [tilespmem:s19+$0x20];
	p1 =	slt.u32 s1, $0x6C80;
	v7 =	vmul.f32 v7, v0;
	[tilespmem:s29+$0xFFFFFFC0] =	vst v9;
	v9 =	vpop (erf)  }
0x120: {  	v12 =	vld [tilespmem:s19+$0x0];
	v13 =	vmul.f32 $1.442695020e+00, v6;
	(erf) = vpow2.f32 v14;
	[tilespmem:s29+$0x0] =	vst v9;
	v2 =	vpop (erf)  }
0x121: {  	v5 =	vmul.f32 $1.442695020e+00, v5;
	v6 =	vmul.f32 v1, v0;
	v9 =	vld [tilespmem:s19+$0x10];
	[tilespmem:s29+$0x20] =	vst v2;
	v1 =	vpop (erf)  }
0x122: {  	v15 =	vmul.f32 $1.442695020e+00, v7;
	v14 =	vld [tilespmem:s19+$0x30];
	(erf) = vpow2.f32 v3;
	[tilespmem:s29+$0x30] =	vst v1;
	v3 =	vpop (erf)  }
0x123: {  	v2 =	vmul.f32 v10, v0;
	v1 =	vld [tilespmem:s19+$0xFFFFFFD0];
	(erf) = vpow2.f32 v4;
	[tilespmem:s29+$0xFFFFFFE0] =	vst v3;
	v3 =	vpop (erf)  }
0x124: {  	v4 =	vmul.f32 $1.442695020e+00, v6;
	(erf) = vpow2.f32 v8;
	[tilespmem:s29+$0xFFFFFFD0] =	vst v3;
	v3 =	vpop (erf)  }
.Ltmp9:
0x125: {  	v6 =	vld [tilespmem:s19+$0xFFFFFFE0];
	v8 =	vmul.f32 v12, v0;
	(erf) = vpow2.f32 v13;
	[tilespmem:s29+$0xFFFFFFF0] =	vst v3;
	v3 =	vpop (erf);
	(pc) =	sbr.rel @p1 .LBB2_3-.Ltmp9, $4  }
0x126: {  	v10 =	vmul.f32 v11, v0;
	v7 =	vld [tilespmem:s19+$0xFFFFFFF0];
	(erf) = vpow2.f32 v4;
	[tilespmem:s29+$0x10] =	vst v3;
	s29 =	smov.u32 s30;
	s30 =	smov.u32 s19  }
0x127: {  	v3 =	vmul.f32 $1.442695020e+00, v8;
	(erf) = vpow2.f32 v15  }
0x128: {  	v8 =	vmul.f32 v14, v0;
	(erf) = vpow2.f32 v5  }
0x129: {  	v4 =	vmul.f32 $1.442695020e+00, v10;
	s19 =	sadd.s32 $0x80, s19;
	v5 =	vmul.f32 v9, v0;
	v9 =	vpop (erf)  }
0x12a: {  	v2 =	vmul.f32 $1.442695020e+00, v2;
	v6 =	vmul.f32 v6, v0  }
0x12b: {  	v8 =	vmul.f32 $1.442695020e+00, v8;
	v1 =	vmul.f32 v1, v0  }
0x12c: {  	v7 =	vmul.f32 v7, v0;
	(erf) = vpow2.f32 v2  }
0x12d: {  	v1 =	vmul.f32 $1.442695020e+00, v1;
	(erf) = vpow2.f32 v3  }
0x12e: {  	[tilespmem:s29+$0xFFFFFFC0] =	vst v9;
	v3 =	vmul.f32 $1.442695020e+00, v6;
	v2 =	vpop (erf);
	(erf) = vpow2.f32 v4  }
0x12f: {  	[tilespmem:s29+$0x0] =	vst v2;
	v2 =	vpop (erf);
	(erf) = vpow2.f32 v8  }
0x130: {  	v63 =	vmul.f32 $1.442695020e+00, v7;
	[tilespmem:s29+$0x20] =	vst v2;
	v2 =	vpop (erf);
	(erf) = vpow2.f32 v3  }
0x131: {  	v3 =	vmul.f32 $1.442695020e+00, v5;
	[tilespmem:s29+$0x30] =	vst v2;
	v2 =	vpop (erf);
	(erf) = vpow2.f32 v1  }
0x132: {  	[tilespmem:s29+$0xFFFFFFE0] =	vst v2;
	v1 =	vpop (erf);
	(erf) = vpow2.f32 v63  }
0x133: {  	[tilespmem:s29+$0xFFFFFFD0] =	vst v1;
	v1 =	vpop (erf);
	(erf) = vpow2.f32 v3  }
0x134: {  	v2 =	vpop (erf);
	[tilespmem:s29+$0xFFFFFFF0] =	vst v1  }
0x135: {  	[tilespmem:s29+$0x10] =	vst v2;
	v1 =	vpop (erf)  }
0x136: {  	[tilespmem:s30+$0xFFFFFFC0] =	vst v1;
	v1 =	vpop (erf)  }
0x137: {  	[tilespmem:s30+$0x0] =	vst v1;
	v1 =	vpop (erf)  }
0x138: {  	[tilespmem:s30+$0x20] =	vst v1;
	v1 =	vpop (erf)  }
0x139: {  	[tilespmem:s30+$0x30] =	vst v1;
	v1 =	vpop (erf)  }
0x13a: {  	[tilespmem:s30+$0xFFFFFFE0] =	vst v1;
	v1 =	vpop (erf)  }
0x13b: {  	[tilespmem:s30+$0xFFFFFFD0] =	vst v1;
	v1 =	vpop (erf)  }
0x13c: {  	[tilespmem:s30+$0xFFFFFFF0] =	vst v1;
	v1 =	vpop (erf)  }
0x13d: {  	[tilespmem:s30+$0x10] =	vst v1  }
.LBB2_5:
0x13e: {  	v1 =	vld [tilespmem:s0+$0x0];
	_ =	sdelay $0x4  }
0x13f: {  	v1 =	vmul.f32 v1, v0;
	_ =	sdelay $0x1  }
0x140: {  	v1 =	vmul.f32 $1.442695020e+00, v1;
	_ =	sdelay $0x1  }
0x141: {  	(erf) = vpow2.f32 v1;
	_ =	sdelay $0x3  }
0x142: {  	s31 =	sadd.s32 $0x10, s31  }
0x143: {  	p1 =	slt.u32 s31, $0x6D30  }
.Ltmp10:
0x144: {  	_ = 	snop;
	(pc) =	sbr.rel @p1 .LBB2_5-.Ltmp10, $3  }
0x145: {  	_ =	sdelay $0x1  }
0x146: {  	v1 =	vpop (erf)  }
0x147: {  	[tilespmem:s0+$0x0] =	vst v1;
	s0 =	sadd.s32 $0x10, s0  }
0x148: {  	[hbm4b:s7+s2] =	stream.linear.scatter [tilespmem:s2], [sflag:$0x4], $0x6D40, $0x38;
	[tilespmem:$0x14900] =	vst v63  }
0x149: {  	_ =	swait.ge [sflag:s22], $0x6D40  }
0x14a: {  	[sflag:s22] =	ssyncset.done $0x0  }
0x14b: {  	s30 =	simm.s32 $0x6DC0;
	[sflag:s22] =	ssyncadd.s32 $0xFFFF92C0  }
0x14c: {  	v1 =	vld [tilespmem:s30+$0xFFFFFFC0]  }
0x14d: {  	v2 =	vld [tilespmem:s30+$0x0]  }
0x14e: {  	v3 =	vld [tilespmem:s30+$0x20]  }
0x14f: {  	v4 =	vld [tilespmem:s30+$0x30]  }
0x150: {  	v5 =	vld [tilespmem:s30+$0x10]  }
0x151: {  	v6 =	vld [tilespmem:s30+$0xFFFFFFE0]  }
0x152: {  	v7 =	vld [tilespmem:s30+$0xFFFFFFF0]  }
0x153: {  	v8 =	vld [tilespmem:s30+$0xFFFFFFD0]  }
0x154: {  	v2 =	vmul.f32 v2, v0  }
0x155: {  	v1 =	vmul.f32 v1, v0;
	v3 =	vmul.f32 v3, v0  }
0x156: {  	v4 =	vmul.f32 v4, v0;
	v5 =	vmul.f32 v5, v0  }
0x157: {  	v6 =	vmul.f32 v6, v0;
	v7 =	vmul.f32 v7, v0  }
0x158: {  	s29 =	simm.s32 $0x6E40;
	v8 =	vmul.f32 v8, v0;
	v1 =	vmul.f32 $1.442695020e+00, v1  }
0x159: {  	v9 =	vld [tilespmem:s29+$0xFFFFFFC0];
	v2 =	vmul.f32 $1.442695020e+00, v2;
	v3 =	vmul.f32 $1.442695020e+00, v3  }
0x15a: {  	v10 =	vld [tilespmem:s29+$0x0];
	v4 =	vmul.f32 $1.442695020e+00, v4;
	(erf) = vpow2.f32 v1  }
0x15b: {  	v11 =	vld [tilespmem:s29+$0x30];
	v6 =	vmul.f32 $1.442695020e+00, v6;
	(erf) = vpow2.f32 v2  }
0x15c: {  	v7 =	vmul.f32 $1.442695020e+00, v7;
	v1 =	vld [tilespmem:s29+$0x20];
	(erf) = vpow2.f32 v3  }
0x15d: {  	v3 =	vmul.f32 $1.442695020e+00, v8;
	(erf) = vpow2.f32 v4  }
0x15e: {  	v2 =	vmul.f32 v9, v0;
	v9 =	vld [tilespmem:s29+$0x10];
	(erf) = vpow2.f32 v6  }
0x15f: {  	v5 =	vmul.f32 $1.442695020e+00, v5;
	v6 =	vld [tilespmem:s29+$0xFFFFFFE0];
	(erf) = vpow2.f32 v3  }
0x160: {  	v4 =	vmul.f32 v10, v0;
	(erf) = vpow2.f32 v7;
	v7 =	vld [tilespmem:s29+$0xFFFFFFF0]  }
0x161: {  	v8 =	vmul.f32 v11, v0;
	v10 =	vmul.f32 v1, v0  }
0x162: {  	v1 =	vld [tilespmem:s29+$0xFFFFFFD0];
	v3 =	vmul.f32 $1.442695020e+00, v4;
	(erf) = vpow2.f32 v5  }
0x163: {  	s0 =	simm.s32 $0x80;
	s1 =	simm.s32 $0x6EC0;
	v5 =	vmul.f32 v9, v0;
	v4 =	vmul.f32 $1.442695020e+00, v10;
	v9 =	vpop (erf)  }
.LBB2_7:
0x164: {  	v10 =	vld [tilespmem:s1+$0xFFFFFFC0];
	s0 =	sadd.s32 $0x80, s0;
	v14 =	vmul.f32 $1.442695020e+00, v2;
	v6 =	vmul.f32 v6, v0;
	s31 =	simm.s32 $0xDA80  }
0x165: {  	v8 =	vmul.f32 $1.442695020e+00, v8;
	v11 =	vld [tilespmem:s1+$0x20];
	p1 =	slt.u32 s0, $0x6C80;
	v7 =	vmul.f32 v7, v0;
	[tilespmem:s30+$0xFFFFFFC0] =	vst v9;
	v9 =	vpop (erf)  }
0x166: {  	v12 =	vld [tilespmem:s1+$0x0];
	v13 =	vmul.f32 $1.442695020e+00, v6;
	(erf) = vpow2.f32 v14;
	[tilespmem:s30+$0x0] =	vst v9;
	v2 =	vpop (erf)  }
0x167: {  	v5 =	vmul.f32 $1.442695020e+00, v5;
	v6 =	vmul.f32 v1, v0;
	v9 =	vld [tilespmem:s1+$0x10];
	[tilespmem:s30+$0x20] =	vst v2;
	v1 =	vpop (erf)  }
0x168: {  	v15 =	vmul.f32 $1.442695020e+00, v7;
	v14 =	vld [tilespmem:s1+$0x30];
	(erf) = vpow2.f32 v3;
	[tilespmem:s30+$0x30] =	vst v1;
	v3 =	vpop (erf)  }
0x169: {  	v2 =	vmul.f32 v10, v0;
	v1 =	vld [tilespmem:s1+$0xFFFFFFD0];
	(erf) = vpow2.f32 v4;
	[tilespmem:s30+$0xFFFFFFE0] =	vst v3;
	v3 =	vpop (erf)  }
0x16a: {  	v4 =	vmul.f32 $1.442695020e+00, v6;
	(erf) = vpow2.f32 v8;
	[tilespmem:s30+$0xFFFFFFD0] =	vst v3;
	v3 =	vpop (erf)  }
.Ltmp11:
0x16b: {  	v6 =	vld [tilespmem:s1+$0xFFFFFFE0];
	v8 =	vmul.f32 v12, v0;
	(erf) = vpow2.f32 v13;
	[tilespmem:s30+$0xFFFFFFF0] =	vst v3;
	v3 =	vpop (erf);
	(pc) =	sbr.rel @p1 .LBB2_7-.Ltmp11, $4  }
0x16c: {  	v10 =	vmul.f32 v11, v0;
	v7 =	vld [tilespmem:s1+$0xFFFFFFF0];
	(erf) = vpow2.f32 v4;
	[tilespmem:s30+$0x10] =	vst v3;
	s30 =	smov.u32 s29;
	s29 =	smov.u32 s1  }
0x16d: {  	v3 =	vmul.f32 $1.442695020e+00, v8;
	(erf) = vpow2.f32 v15  }
0x16e: {  	v8 =	vmul.f32 v14, v0;
	(erf) = vpow2.f32 v5  }
0x16f: {  	v4 =	vmul.f32 $1.442695020e+00, v10;
	s1 =	sadd.s32 $0x80, s1;
	v5 =	vmul.f32 v9, v0;
	v9 =	vpop (erf)  }
0x170: {  	v2 =	vmul.f32 $1.442695020e+00, v2;
	v6 =	vmul.f32 v6, v0  }
0x171: {  	v8 =	vmul.f32 $1.442695020e+00, v8;
	v1 =	vmul.f32 v1, v0  }
0x172: {  	v7 =	vmul.f32 v7, v0;
	(erf) = vpow2.f32 v2  }
0x173: {  	v1 =	vmul.f32 $1.442695020e+00, v1;
	(erf) = vpow2.f32 v3  }
0x174: {  	[tilespmem:s30+$0xFFFFFFC0] =	vst v9;
	v3 =	vmul.f32 $1.442695020e+00, v6;
	v2 =	vpop (erf);
	(erf) = vpow2.f32 v4  }
0x175: {  	[tilespmem:s30+$0x0] =	vst v2;
	v2 =	vpop (erf);
	(erf) = vpow2.f32 v8  }
0x176: {  	v63 =	vmul.f32 $1.442695020e+00, v7;
	[tilespmem:s30+$0x20] =	vst v2;
	v2 =	vpop (erf);
	(erf) = vpow2.f32 v3  }
0x177: {  	v3 =	vmul.f32 $1.442695020e+00, v5;
	[tilespmem:s30+$0x30] =	vst v2;
	v2 =	vpop (erf);
	(erf) = vpow2.f32 v1  }
0x178: {  	[tilespmem:s30+$0xFFFFFFE0] =	vst v2;
	v1 =	vpop (erf);
	(erf) = vpow2.f32 v63  }
0x179: {  	[tilespmem:s30+$0xFFFFFFD0] =	vst v1;
	v1 =	vpop (erf);
	(erf) = vpow2.f32 v3  }
0x17a: {  	v2 =	vpop (erf);
	[tilespmem:s30+$0xFFFFFFF0] =	vst v1  }
0x17b: {  	[tilespmem:s30+$0x10] =	vst v2;
	v1 =	vpop (erf)  }
0x17c: {  	[tilespmem:s29+$0xFFFFFFC0] =	vst v1;
	v1 =	vpop (erf)  }
0x17d: {  	[tilespmem:s29+$0x0] =	vst v1;
	v1 =	vpop (erf)  }
0x17e: {  	[tilespmem:s29+$0x20] =	vst v1;
	v1 =	vpop (erf)  }
0x17f: {  	[tilespmem:s29+$0x30] =	vst v1;
	v1 =	vpop (erf)  }
0x180: {  	[tilespmem:s29+$0xFFFFFFE0] =	vst v1;
	v1 =	vpop (erf)  }
0x181: {  	[tilespmem:s29+$0xFFFFFFD0] =	vst v1;
	v1 =	vpop (erf)  }
0x182: {  	[tilespmem:s29+$0xFFFFFFF0] =	vst v1;
	v1 =	vpop (erf)  }
0x183: {  	s0 =	simm.s32 $0x6CF0;
	[tilespmem:s29+$0x10] =	vst v1  }
.LBB2_9:
0x184: {  	v1 =	vld [tilespmem:s31+$0x0];
	_ =	sdelay $0x4  }
0x185: {  	v1 =	vmul.f32 v1, v0;
	_ =	sdelay $0x1  }
0x186: {  	v1 =	vmul.f32 $1.442695020e+00, v1;
	_ =	sdelay $0x1  }
0x187: {  	(erf) = vpow2.f32 v1;
	_ =	sdelay $0x3  }
0x188: {  	s0 =	sadd.s32 $0x10, s0  }
0x189: {  	p1 =	slt.u32 s0, $0x6D30  }
.Ltmp12:
0x18a: {  	_ = 	snop;
	(pc) =	sbr.rel @p1 .LBB2_9-.Ltmp12, $3  }
0x18b: {  	_ =	sdelay $0x1  }
0x18c: {  	v1 =	vpop (erf)  }
0x18d: {  	[tilespmem:s31+$0x0] =	vst v1;
	s31 =	sadd.s32 $0x10, s31  }
0x18e: {  	[hbm4b:s8+s2] =	stream.linear.scatter [tilespmem:s17], [sflag:$0x5], $0x6D40, $0x38;
	[tilespmem:$0x14900] =	vst v63  }
0x18f: {  	_ =	swait.ge [sflag:s23], $0x6D40  }
0x190: {  	[sflag:s23] =	ssyncset.done $0x0  }
0x191: {  	s30 =	simm.s32 $0xDB40;
	[sflag:s23] =	ssyncadd.s32 $0xFFFF92C0  }
0x192: {  	v1 =	vld [tilespmem:s30+$0xFFFFFFC0]  }
0x193: {  	v2 =	vld [tilespmem:s30+$0x0]  }
0x194: {  	v3 =	vld [tilespmem:s30+$0x20]  }
0x195: {  	v4 =	vld [tilespmem:s30+$0x30]  }
0x196: {  	v5 =	vld [tilespmem:s30+$0x10]  }
0x197: {  	v6 =	vld [tilespmem:s30+$0xFFFFFFE0]  }
0x198: {  	v7 =	vld [tilespmem:s30+$0xFFFFFFF0]  }
0x199: {  	v8 =	vld [tilespmem:s30+$0xFFFFFFD0]  }
0x19a: {  	v2 =	vmul.f32 v2, v0  }
0x19b: {  	v1 =	vmul.f32 v1, v0;
	v3 =	vmul.f32 v3, v0  }
0x19c: {  	v4 =	vmul.f32 v4, v0;
	v5 =	vmul.f32 v5, v0  }
0x19d: {  	v6 =	vmul.f32 v6, v0;
	v7 =	vmul.f32 v7, v0  }
0x19e: {  	s29 =	simm.s32 $0xDBC0;
	v8 =	vmul.f32 v8, v0;
	v1 =	vmul.f32 $1.442695020e+00, v1  }
0x19f: {  	v9 =	vld [tilespmem:s29+$0xFFFFFFC0];
	v2 =	vmul.f32 $1.442695020e+00, v2;
	v3 =	vmul.f32 $1.442695020e+00, v3  }
0x1a0: {  	v10 =	vld [tilespmem:s29+$0x0];
	v4 =	vmul.f32 $1.442695020e+00, v4;
	(erf) = vpow2.f32 v1  }
0x1a1: {  	v11 =	vld [tilespmem:s29+$0x30];
	v6 =	vmul.f32 $1.442695020e+00, v6;
	(erf) = vpow2.f32 v2  }
0x1a2: {  	v7 =	vmul.f32 $1.442695020e+00, v7;
	v1 =	vld [tilespmem:s29+$0x20];
	(erf) = vpow2.f32 v3  }
0x1a3: {  	v3 =	vmul.f32 $1.442695020e+00, v8;
	(erf) = vpow2.f32 v4  }
0x1a4: {  	v2 =	vmul.f32 v9, v0;
	v9 =	vld [tilespmem:s29+$0x10];
	(erf) = vpow2.f32 v6  }
0x1a5: {  	v5 =	vmul.f32 $1.442695020e+00, v5;
	v6 =	vld [tilespmem:s29+$0xFFFFFFE0];
	(erf) = vpow2.f32 v3  }
0x1a6: {  	v4 =	vmul.f32 v10, v0;
	(erf) = vpow2.f32 v7;
	v7 =	vld [tilespmem:s29+$0xFFFFFFF0]  }
0x1a7: {  	v8 =	vmul.f32 v11, v0;
	v10 =	vmul.f32 v1, v0  }
0x1a8: {  	v1 =	vld [tilespmem:s29+$0xFFFFFFD0];
	v3 =	vmul.f32 $1.442695020e+00, v4;
	(erf) = vpow2.f32 v5  }
0x1a9: {  	s0 =	simm.s32 $0x80;
	s1 =	simm.s32 $0xDC40;
	v5 =	vmul.f32 v9, v0;
	v4 =	vmul.f32 $1.442695020e+00, v10;
	v9 =	vpop (erf)  }
.LBB2_11:
0x1aa: {  	v10 =	vld [tilespmem:s1+$0xFFFFFFC0];
	s0 =	sadd.s32 $0x80, s0;
	v14 =	vmul.f32 $1.442695020e+00, v2;
	v6 =	vmul.f32 v6, v0;
	s31 =	simm.s32 $0x14800  }
0x1ab: {  	v8 =	vmul.f32 $1.442695020e+00, v8;
	v11 =	vld [tilespmem:s1+$0x20];
	p1 =	slt.u32 s0, $0x6C80;
	v7 =	vmul.f32 v7, v0;
	[tilespmem:s30+$0xFFFFFFC0] =	vst v9;
	v9 =	vpop (erf)  }
0x1ac: {  	v12 =	vld [tilespmem:s1+$0x0];
	v13 =	vmul.f32 $1.442695020e+00, v6;
	(erf) = vpow2.f32 v14;
	[tilespmem:s30+$0x0] =	vst v9;
	v2 =	vpop (erf)  }
0x1ad: {  	v5 =	vmul.f32 $1.442695020e+00, v5;
	v6 =	vmul.f32 v1, v0;
	v9 =	vld [tilespmem:s1+$0x10];
	[tilespmem:s30+$0x20] =	vst v2;
	v1 =	vpop (erf)  }
0x1ae: {  	v15 =	vmul.f32 $1.442695020e+00, v7;
	v14 =	vld [tilespmem:s1+$0x30];
	(erf) = vpow2.f32 v3;
	[tilespmem:s30+$0x30] =	vst v1;
	v3 =	vpop (erf)  }
0x1af: {  	v2 =	vmul.f32 v10, v0;
	v1 =	vld [tilespmem:s1+$0xFFFFFFD0];
	(erf) = vpow2.f32 v4;
	[tilespmem:s30+$0xFFFFFFE0] =	vst v3;
	v3 =	vpop (erf)  }
0x1b0: {  	v4 =	vmul.f32 $1.442695020e+00, v6;
	(erf) = vpow2.f32 v8;
	[tilespmem:s30+$0xFFFFFFD0] =	vst v3;
	v3 =	vpop (erf)  }
.Ltmp13:
0x1b1: {  	v6 =	vld [tilespmem:s1+$0xFFFFFFE0];
	v8 =	vmul.f32 v12, v0;
	(erf) = vpow2.f32 v13;
	[tilespmem:s30+$0xFFFFFFF0] =	vst v3;
	v3 =	vpop (erf);
	(pc) =	sbr.rel @p1 .LBB2_11-.Ltmp13, $4  }
0x1b2: {  	v10 =	vmul.f32 v11, v0;
	v7 =	vld [tilespmem:s1+$0xFFFFFFF0];
	(erf) = vpow2.f32 v4;
	[tilespmem:s30+$0x10] =	vst v3;
	s30 =	smov.u32 s29;
	s29 =	smov.u32 s1  }
0x1b3: {  	v3 =	vmul.f32 $1.442695020e+00, v8;
	(erf) = vpow2.f32 v15  }
0x1b4: {  	v8 =	vmul.f32 v14, v0;
	(erf) = vpow2.f32 v5  }
0x1b5: {  	v4 =	vmul.f32 $1.442695020e+00, v10;
	s1 =	sadd.s32 $0x80, s1;
	v5 =	vmul.f32 v9, v0;
	v9 =	vpop (erf)  }
0x1b6: {  	v2 =	vmul.f32 $1.442695020e+00, v2;
	v6 =	vmul.f32 v6, v0  }
0x1b7: {  	v8 =	vmul.f32 $1.442695020e+00, v8;
	v1 =	vmul.f32 v1, v0  }
0x1b8: {  	v7 =	vmul.f32 v7, v0;
	(erf) = vpow2.f32 v2  }
0x1b9: {  	v1 =	vmul.f32 $1.442695020e+00, v1;
	(erf) = vpow2.f32 v3  }
0x1ba: {  	[tilespmem:s30+$0xFFFFFFC0] =	vst v9;
	v3 =	vmul.f32 $1.442695020e+00, v6;
	v2 =	vpop (erf);
	(erf) = vpow2.f32 v4  }
0x1bb: {  	[tilespmem:s30+$0x0] =	vst v2;
	v2 =	vpop (erf);
	(erf) = vpow2.f32 v8  }
0x1bc: {  	v63 =	vmul.f32 $1.442695020e+00, v7;
	[tilespmem:s30+$0x20] =	vst v2;
	v2 =	vpop (erf);
	(erf) = vpow2.f32 v3  }
0x1bd: {  	v3 =	vmul.f32 $1.442695020e+00, v5;
	[tilespmem:s30+$0x30] =	vst v2;
	v2 =	vpop (erf);
	(erf) = vpow2.f32 v1  }
0x1be: {  	[tilespmem:s30+$0xFFFFFFE0] =	vst v2;
	v1 =	vpop (erf);
	(erf) = vpow2.f32 v63  }
0x1bf: {  	[tilespmem:s30+$0xFFFFFFD0] =	vst v1;
	v1 =	vpop (erf);
	(erf) = vpow2.f32 v3  }
0x1c0: {  	v2 =	vpop (erf);
	[tilespmem:s30+$0xFFFFFFF0] =	vst v1  }
0x1c1: {  	[tilespmem:s30+$0x10] =	vst v2;
	v1 =	vpop (erf)  }
0x1c2: {  	[tilespmem:s29+$0xFFFFFFC0] =	vst v1;
	v1 =	vpop (erf)  }
0x1c3: {  	[tilespmem:s29+$0x0] =	vst v1;
	v1 =	vpop (erf)  }
0x1c4: {  	[tilespmem:s29+$0x20] =	vst v1;
	v1 =	vpop (erf)  }
0x1c5: {  	[tilespmem:s29+$0x30] =	vst v1;
	v1 =	vpop (erf)  }
0x1c6: {  	[tilespmem:s29+$0xFFFFFFE0] =	vst v1;
	v1 =	vpop (erf)  }
0x1c7: {  	[tilespmem:s29+$0xFFFFFFD0] =	vst v1;
	v1 =	vpop (erf)  }
0x1c8: {  	[tilespmem:s29+$0xFFFFFFF0] =	vst v1;
	v1 =	vpop (erf)  }
0x1c9: {  	s0 =	simm.s32 $0x6CF0;
	[tilespmem:s29+$0x10] =	vst v1  }
.LBB2_13:
0x1ca: {  	v1 =	vld [tilespmem:s31+$0x0];
	_ =	sdelay $0x4  }
0x1cb: {  	v1 =	vmul.f32 v1, v0;
	_ =	sdelay $0x1  }
0x1cc: {  	v1 =	vmul.f32 $1.442695020e+00, v1;
	_ =	sdelay $0x1  }
0x1cd: {  	(erf) = vpow2.f32 v1;
	_ =	sdelay $0x3  }
0x1ce: {  	s0 =	sadd.s32 $0x10, s0  }
0x1cf: {  	p1 =	slt.u32 s0, $0x6D30  }
.Ltmp14:
0x1d0: {  	_ = 	snop;
	(pc) =	sbr.rel @p1 .LBB2_13-.Ltmp14, $3  }
0x1d1: {  	_ =	sdelay $0x1  }
0x1d2: {  	v1 =	vpop (erf)  }
0x1d3: {  	[tilespmem:s31+$0x0] =	vst v1;
	s31 =	sadd.s32 $0x10, s31  }
0x1d4: {  	[hbm4b:s9+s2] =	stream.linear.scatter [tilespmem:s18], [sflag:$0x6], $0x6D40, $0x38;
	[tilespmem:$0x14900] =	vst v63  }
0x1d5: {  	_ =	swait.ge [sflag:s24], $0x6D40  }
0x1d6: {  	[sflag:s24] =	ssyncset.done $0x0  }
0x1d7: {  	[sflag:s24] =	ssyncadd.s32 $0xFFFF92C0  }
0x1d8: {  	_ =	swait.ge [sflag:s25], $0x6D40  }
.Ltmp15:
0x1d9: {  	[sflag:s25] =	ssyncset.done $0x0;
	(pc) =	sbr.rel .LBB2_26-.Ltmp15, $4  }
0x1da: {  	[sflag:s25] =	ssyncadd.s32 $0xFFFF92C0  }
0x1db: {  	_ =	swait.ge [sflag:s26], $0x6D40  }
0x1dc: {  	[sflag:s26] =	ssyncset.done $0x0  }
0x1dd: {  	[sflag:s26] =	ssyncadd.s32 $0xFFFF92C0  }
.LBB2_27:
0x1de: {  	_ =	sfence.sel $0x180000  }
0x1df: {  	[bflag:$0x0] =	sbarrier.arrive $0xFFFF  }
0x1e0: {  	_ =	strace $0x90000047  }
0x1e1: {  	s0 =	stileid.u32;
	[bflag:$0x2] =	sbarrier.arrive $0xFFFF  }
0x1e2: {  	p0 =	sne.s32 s0, $0x0;
	s0 =	rddreg [dreg:$0x3]  }
0x1e3: {  	s0 =	sadd.s32 @!p0 $0x100000, s0  }
0x1e4: {  	[sflag:s0] =	ssyncadd.tile.s32 @!p0 $0x1;
	_ =	shalt  }
.Lfunc_end2:
_tile_overlayer_lowered:
.L_overlay_start_2:
0x1e5: {  	(tag) =	ssettag $0x2  }
0x1e6: {  	s0 =	rddreg [dreg:$0x0];
	s2 =	stileid.u32  }
0x1e7: {  	s1 =	rddreg [dreg:$0x1];
	p0 =	sne.s32 s2, $0x0  }
0x1e8: {  	s3 =	rddreg [dreg:$0x2];
	[bflag:$0x3] =	sbarrier.arrive $0xFFFF;
	s2 =	simm.s32 @!p0 $0x1C07  }
0x1e9: {  	[timem:s3], [sflag:s2] =	dma.local @!p0 [hbm:s0], s1  }
0x1ea: {  	s0 =	simm.s32 @!p0 $0x7  }
0x1eb: {  	_ =	swait.ge @!p0 [sflag:s0], s1  }
0x1ec: {  	s1 =	ssub.s32 @!p0 $0x0, s1;
	[sflag:s0] =	ssyncset.done @!p0 $0x0  }
0x1ed: {  	[sflag:s0] =	ssyncadd.s32 @!p0 s1  }
0x1ee: {  	[bflag:$0x3] =	sbarrier.arrive $0xFFFF  }
0x1ef: {  	_ =	shalt  }

</sc_bundles>
